<compile_context>
chip_gen: v7x
topology: tpu7x:2x2x1
jax: 0.10.2.dev20260603
libtpu: 0.0.44.dev20260713+nightly
codegen_flags: <defaults>
</compile_context>

<pallas_src>
import functools
import jax
import jax.numpy as jnp
from jax import lax
from jax.experimental import pallas as pl
from jax.experimental.pallas import tpu as pltpu
from jax.experimental.pallas import tpu_sc as plsc

BATCH = 4096
HIST = 50
D = 128
NW = 32
NS = 16
COLS = BATCH // NW
NBUF = 3
LOOKAHEAD = 2

_mesh = plsc.VectorSubcoreMesh(core_axis_name="c", subcore_axis_name="s")


@functools.partial(
    pl.kernel,
    mesh=_mesh,
    out_type=jax.ShapeDtypeStruct((HIST, BATCH, D), jnp.float32),
    scratch_types=[
        pltpu.VMEM((HIST, COLS), jnp.int32),
        [pltpu.VMEM((COLS, D), jnp.float32) for _ in range(NBUF)],
        [pltpu.VMEM_SHARED((NS, COLS, D), jnp.float32) for _ in range(NBUF)],
        [pltpu.SemaphoreType.DMA for _ in range(NBUF)],
        [pltpu.SemaphoreType.DMA for _ in range(NBUF)],
        [pltpu.SemaphoreType.DMA for _ in range(NBUF)],
    ],
)
def _gather_kernel(idx_hbm, table_hbm, out_hbm, idx_v, tbufs, sbufs,
                   gsems, csems, wsems):
    sid = lax.axis_index("s")
    wid = sid * 2 + lax.axis_index("c")
    col0 = wid * COLS
    pltpu.sync_copy(idx_hbm.at[:, wid], idx_v)

    def gather(l, b):
        pltpu.async_copy(table_hbm.at[idx_v.at[l]], tbufs[b], gsems[b])

    def gather_wait(l, b):
        pltpu.make_async_copy(table_hbm.at[idx_v.at[l]], tbufs[b], gsems[b]).wait()

    def xcopy(l, b):
        pltpu.async_copy(tbufs[b], sbufs[b].at[sid], csems[b])

    def xcopy_wait(l, b):
        pltpu.make_async_copy(tbufs[b], sbufs[b].at[sid], csems[b]).wait()

    def write(l, b):
        pltpu.async_copy(sbufs[b].at[sid], out_hbm.at[l, pl.ds(col0, COLS)],
                         wsems[b])

    def write_wait(l, b):
        pltpu.make_async_copy(sbufs[b].at[sid],
                              out_hbm.at[l, pl.ds(col0, COLS)], wsems[b]).wait()

    def iteration(l):
        if l >= NBUF:
            write_wait(l - NBUF, (l - NBUF) % NBUF)
        gather_wait(l, l % NBUF)
        xcopy(l, l % NBUF)
        if l >= 1:
            xcopy_wait(l - 1, (l - 1) % NBUF)
            write(l - 1, (l - 1) % NBUF)
        if l + LOOKAHEAD < HIST:
            gather(l + LOOKAHEAD, (l + LOOKAHEAD) % NBUF)

    for l in range(LOOKAHEAD):
        gather(l, l % NBUF)

    for l in range(NBUF):
        iteration(l)

    MAIN_END = NBUF + ((HIST - LOOKAHEAD - NBUF) // NBUF) * NBUF

    @pl.loop(NBUF, MAIN_END, step=NBUF)
    def _main(l0):
        for d in range(NBUF):
            l = l0 + d
            write_wait(l - NBUF, d)
            gather_wait(l, d)
            xcopy(l, d)
            bp = (d - 1) % NBUF
            xcopy_wait(l - 1, bp)
            write(l - 1, bp)
            gather(l + LOOKAHEAD, (d + LOOKAHEAD) % NBUF)

    for l in range(NBUF + ((HIST - LOOKAHEAD - NBUF) // NBUF) * NBUF, HIST):
        iteration(l)

    xcopy_wait(HIST - 1, (HIST - 1) % NBUF)
    write(HIST - 1, (HIST - 1) % NBUF)
    for l in range(HIST - NBUF, HIST):
        write_wait(l, l % NBUF)


def kernel(x, target, emb_table):
    idx = jnp.transpose(target.astype(jnp.int32)).reshape(HIST, NW, COLS)
    out_t = _gather_kernel(idx, emb_table)
    return jnp.transpose(out_t, (1, 0, 2))

# --- scband reference (transcript-rebuilt; emitter-appended) ---
"""Pipeline reference for scband-conv-net-30288109371850 (READ-ONLY COPY).

The authoritative reference and input builder live on the scoring server;
editing this copy changes nothing except your own understanding.
"""

import jax, jax.numpy as jnp
import numpy as np

NUM_CLASSES = 100000
EMBED_DIM = 128
BATCH = 4096
HIST = 50

def setup_inputs(seed: int = 0) -> dict:
    key = jax.random.key(seed)
    k1, k2, k3 = jax.random.split(key, 3)
    x = jax.random.normal(k1, (BATCH, EMBED_DIM), dtype=jnp.float32)
    target = jax.random.randint(k2, (BATCH, HIST), 0, NUM_CLASSES, dtype=jnp.int64)
    # learned embedding table (nn.Embedding(num_classes, 128) default init ~ N(0,1))
    emb_table = jax.random.normal(k3, (NUM_CLASSES, EMBED_DIM), dtype=jnp.float32)
    return {"x": x, "target": target, "emb_table": emb_table}

def reference(x, target, emb_table):
    # forward: class_embedding = self.class_embedding(target).repeat(1, 1, 1)
    # target is [B, L] -> lookup gives [B, L, 128]; repeat(1,1,1) on a 3D tensor is a no-op.
    # x is unused in the module's forward.
    class_embedding = jnp.take(emb_table, target, axis=0)
    return class_embedding

if __name__ == "__main__":
    import jax
    _d = setup_inputs()
    print(jax.jit(kernel)(*tuple(_d.values())))

</pallas_src>

<mosaic_0001>
#map = affine_map<(d0, d1) -> (0, 0, 0)>
#map1 = affine_map<(d0, d1) -> (0, 0)>
module attributes {stable_mosaic.version = 14 : i64} {
  func.func @_gather_kernel(%arg0: i32, %arg1: i32, %arg2: memref<50x32x128xi32, #tpu.memory_space<hbm>>, %arg3: memref<100000x128xf32, #tpu.memory_space<hbm>>, %arg4: memref<50x4096x128xf32, #tpu.memory_space<hbm>>, %arg5: memref<50x128xi32, #tpu.memory_space<vmem>>, %arg6: memref<128x128xf32, #tpu.memory_space<vmem>>, %arg7: memref<128x128xf32, #tpu.memory_space<vmem>>, %arg8: memref<128x128xf32, #tpu.memory_space<vmem>>, %arg9: memref<16x128x128xf32, #tpu.memory_space<vmem_shared>>, %arg10: memref<16x128x128xf32, #tpu.memory_space<vmem_shared>>, %arg11: memref<16x128x128xf32, #tpu.memory_space<vmem_shared>>, %arg12: memref<!tpu.dma_semaphore, #tpu.memory_space<semaphore_mem>>, %arg13: memref<!tpu.dma_semaphore, #tpu.memory_space<semaphore_mem>>, %arg14: memref<!tpu.dma_semaphore, #tpu.memory_space<semaphore_mem>>, %arg15: memref<!tpu.dma_semaphore, #tpu.memory_space<semaphore_mem>>, %arg16: memref<!tpu.dma_semaphore, #tpu.memory_space<semaphore_mem>>, %arg17: memref<!tpu.dma_semaphore, #tpu.memory_space<semaphore_mem>>, %arg18: memref<!tpu.dma_semaphore, #tpu.memory_space<semaphore_mem>>, %arg19: memref<!tpu.dma_semaphore, #tpu.memory_space<semaphore_mem>>, %arg20: memref<!tpu.dma_semaphore, #tpu.memory_space<semaphore_mem>>) attributes {dimension_semantics = [#tpu.dimension_semantics<core_parallel>, #tpu.dimension_semantics<subcore_parallel>], iteration_bounds = array<i64: 2, 16>, scalar_prefetch = 0 : i64, scratch_operands = 16 : i64, tpu.core_type = #tpu.core_type<sc_vector_subcore>, window_params = [{transform_indices = #map}, {transform_indices = #map1}, {transform_indices = #map}]} {
    %mul3A = arith.constant 2 : i32
    %mul3A_0 = arith.muli %arg1, %mul3A : i32
    %add3A = arith.addi %mul3A_0, %arg0 : i32
    %mul3A_1 = arith.constant 128 : i32
    %mul3A_2 = arith.muli %add3A, %mul3A_1 : i32
    "tpu.region"() ({
      %run_scoped3A = tpu.sem_alloc : memref<!tpu.dma_semaphore, #tpu.memory_space<semaphore_mem>>
      %dma_start3A_235 = arith.constant 0 : i32
      %dma_start3A_236 = arith.constant 0 : i32
      %dma_start3A_237 = tpu.memref_slice %arg2[%dma_start3A_235, %add3A, %dma_start3A_236] : memref<50x32x128xi32, #tpu.memory_space<hbm>> -> memref<50x1x128xi32, #tpu.memory_space<hbm>>
      %dma_start3A_238 = tpu.memref_squeeze %dma_start3A_237 : memref<50x1x128xi32, #tpu.memory_space<hbm>> -> memref<50x128xi32, #tpu.memory_space<hbm>>
      %dma_start3A_239 = arith.constant 0 : i32
      %dma_start3A_240 = arith.constant 0 : i32
      %dma_start3A_241 = tpu.memref_slice %arg2[%dma_start3A_239, %add3A, %dma_start3A_240] : memref<50x32x128xi32, #tpu.memory_space<hbm>> -> memref<50x1x128xi32, #tpu.memory_space<hbm>>
      %dma_start3A_242 = tpu.memref_squeeze %dma_start3A_241 : memref<50x1x128xi32, #tpu.memory_space<hbm>> -> memref<50x128xi32, #tpu.memory_space<hbm>>
      tpu.enqueue_dma source(%dma_start3A_242 : memref<50x128xi32, #tpu.memory_space<hbm>>) target(%arg5 : memref<50x128xi32, #tpu.memory_space<vmem>>) target_semaphore(%run_scoped3A : memref<!tpu.dma_semaphore, #tpu.memory_space<semaphore_mem>>)
      %dma_wait3A_243 = arith.constant 0 : i32
      %dma_wait3A_244 = arith.constant 0 : i32
      %dma_wait3A_245 = tpu.memref_slice %arg2[%dma_wait3A_243, %add3A, %dma_wait3A_244] : memref<50x32x128xi32, #tpu.memory_space<hbm>> -> memref<50x1x128xi32, #tpu.memory_space<hbm>>
      %dma_wait3A_246 = tpu.memref_squeeze %dma_wait3A_245 : memref<50x1x128xi32, #tpu.memory_space<hbm>> -> memref<50x128xi32, #tpu.memory_space<hbm>>
      %dma_wait3A_247 = arith.constant 0 : i32
      %dma_wait3A_248 = arith.constant 0 : i32
      %dma_wait3A_249 = tpu.memref_slice %arg2[%dma_wait3A_247, %add3A, %dma_wait3A_248] : memref<50x32x128xi32, #tpu.memory_space<hbm>> -> memref<50x1x128xi32, #tpu.memory_space<hbm>>
      %dma_wait3A_250 = tpu.memref_squeeze %dma_wait3A_249 : memref<50x1x128xi32, #tpu.memory_space<hbm>> -> memref<50x128xi32, #tpu.memory_space<hbm>>
      tpu.wait_dma2 semaphore(%run_scoped3A : memref<!tpu.dma_semaphore, #tpu.memory_space<semaphore_mem>>) src(%dma_wait3A_250 : memref<50x128xi32, #tpu.memory_space<hbm>>) dst(%arg5 : memref<50x128xi32, #tpu.memory_space<vmem>>)
      tpu.yield
    }) : () -> ()
    %dma_start3A = arith.constant 0 : i32
    %dma_start3A_3 = arith.constant 0 : i32
    %dma_start3A_4 = tpu.memref_slice %arg5[%dma_start3A, %dma_start3A_3] : memref<50x128xi32, #tpu.memory_space<vmem>> -> memref<1x128xi32, #tpu.memory_space<vmem>>
    %dma_start3A_5 = tpu.memref_squeeze %dma_start3A_4 : memref<1x128xi32, #tpu.memory_space<vmem>> -> memref<128xi32, #tpu.memory_space<vmem>>
    %dma_start3A_6 = arith.constant 0 : i32
    %dma_start3A_7 = arith.constant 0 : i32
    %dma_start3A_8 = tpu.memref_slice %arg3[%dma_start3A_6, %dma_start3A_7] : memref<100000x128xf32, #tpu.memory_space<hbm>> -> memref<100000x128xf32, #tpu.memory_space<hbm>>
    tpu.enqueue_indirect_dma source(%dma_start3A_8 : memref<100000x128xf32, #tpu.memory_space<hbm>>) target(%arg6 : memref<128x128xf32, #tpu.memory_space<vmem>>) offsets(%dma_start3A_5 : memref<128xi32, #tpu.memory_space<vmem>>) semaphore(%arg12 : memref<!tpu.dma_semaphore, #tpu.memory_space<semaphore_mem>>)
    %dma_start3A_9 = arith.constant 1 : i32
    %dma_start3A_10 = arith.constant 0 : i32
    %dma_start3A_11 = tpu.memref_slice %arg5[%dma_start3A_9, %dma_start3A_10] : memref<50x128xi32, #tpu.memory_space<vmem>> -> memref<1x128xi32, #tpu.memory_space<vmem>>
    %dma_start3A_12 = tpu.memref_squeeze %dma_start3A_11 : memref<1x128xi32, #tpu.memory_space<vmem>> -> memref<128xi32, #tpu.memory_space<vmem>>
    %dma_start3A_13 = arith.constant 0 : i32
    %dma_start3A_14 = arith.constant 0 : i32
    %dma_start3A_15 = tpu.memref_slice %arg3[%dma_start3A_13, %dma_start3A_14] : memref<100000x128xf32, #tpu.memory_space<hbm>> -> memref<100000x128xf32, #tpu.memory_space<hbm>>
    tpu.enqueue_indirect_dma source(%dma_start3A_15 : memref<100000x128xf32, #tpu.memory_space<hbm>>) target(%arg7 : memref<128x128xf32, #tpu.memory_space<vmem>>) offsets(%dma_start3A_12 : memref<128xi32, #tpu.memory_space<vmem>>) semaphore(%arg13 : memref<!tpu.dma_semaphore, #tpu.memory_space<semaphore_mem>>)
    %dma_wait3A = arith.constant 0 : i32
    %dma_wait3A_16 = arith.constant 0 : i32
    %dma_wait3A_17 = tpu.memref_slice %arg5[%dma_wait3A, %dma_wait3A_16] : memref<50x128xi32, #tpu.memory_space<vmem>> -> memref<1x128xi32, #tpu.memory_space<vmem>>
    %dma_wait3A_18 = tpu.memref_squeeze %dma_wait3A_17 : memref<1x128xi32, #tpu.memory_space<vmem>> -> memref<128xi32, #tpu.memory_space<vmem>>
    %dma_wait3A_19 = arith.constant 0 : i32
    %dma_wait3A_20 = arith.constant 0 : i32
    %dma_wait3A_21 = tpu.memref_slice %arg3[%dma_wait3A_19, %dma_wait3A_20] : memref<100000x128xf32, #tpu.memory_space<hbm>> -> memref<100000x128xf32, #tpu.memory_space<hbm>>
    tpu.wait_indirect_dma semaphore(%arg12 : memref<!tpu.dma_semaphore, #tpu.memory_space<semaphore_mem>>) src(%dma_wait3A_21 : memref<100000x128xf32, #tpu.memory_space<hbm>>) dst(%arg6 : memref<128x128xf32, #tpu.memory_space<vmem>>)
    %dma_start3A_22 = arith.constant 0 : i32
    %dma_start3A_23 = arith.constant 0 : i32
    %dma_start3A_24 = tpu.memref_slice %arg9[%arg1, %dma_start3A_22, %dma_start3A_23] : memref<16x128x128xf32, #tpu.memory_space<vmem_shared>> -> memref<1x128x128xf32, #tpu.memory_space<vmem_shared>>
    %dma_start3A_25 = tpu.memref_squeeze %dma_start3A_24 : memref<1x128x128xf32, #tpu.memory_space<vmem_shared>> -> memref<128x128xf32, #tpu.memory_space<vmem_shared>>
    %dma_start3A_26 = arith.constant 0 : i32
    %dma_start3A_27 = arith.constant 0 : i32
    %dma_start3A_28 = tpu.memref_slice %arg9[%arg1, %dma_start3A_26, %dma_start3A_27] : memref<16x128x128xf32, #tpu.memory_space<vmem_shared>> -> memref<1x128x128xf32, #tpu.memory_space<vmem_shared>>
    %dma_start3A_29 = tpu.memref_squeeze %dma_start3A_28 : memref<1x128x128xf32, #tpu.memory_space<vmem_shared>> -> memref<128x128xf32, #tpu.memory_space<vmem_shared>>
    tpu.enqueue_dma source(%arg6 : memref<128x128xf32, #tpu.memory_space<vmem>>) target(%dma_start3A_29 : memref<128x128xf32, #tpu.memory_space<vmem_shared>>) target_semaphore(%arg15 : memref<!tpu.dma_semaphore, #tpu.memory_space<semaphore_mem>>)
    %dma_start3A_30 = arith.constant 2 : i32
    %dma_start3A_31 = arith.constant 0 : i32
    %dma_start3A_32 = tpu.memref_slice %arg5[%dma_start3A_30, %dma_start3A_31] : memref<50x128xi32, #tpu.memory_space<vmem>> -> memref<1x128xi32, #tpu.memory_space<vmem>>
    %dma_start3A_33 = tpu.memref_squeeze %dma_start3A_32 : memref<1x128xi32, #tpu.memory_space<vmem>> -> memref<128xi32, #tpu.memory_space<vmem>>
    %dma_start3A_34 = arith.constant 0 : i32
    %dma_start3A_35 = arith.constant 0 : i32
    %dma_start3A_36 = tpu.memref_slice %arg3[%dma_start3A_34, %dma_start3A_35] : memref<100000x128xf32, #tpu.memory_space<hbm>> -> memref<100000x128xf32, #tpu.memory_space<hbm>>
    tpu.enqueue_indirect_dma source(%dma_start3A_36 : memref<100000x128xf32, #tpu.memory_space<hbm>>) target(%arg8 : memref<128x128xf32, #tpu.memory_space<vmem>>) offsets(%dma_start3A_33 : memref<128xi32, #tpu.memory_space<vmem>>) semaphore(%arg14 : memref<!tpu.dma_semaphore, #tpu.memory_space<semaphore_mem>>)
    %dma_wait3A_37 = arith.constant 1 : i32
    %dma_wait3A_38 = arith.constant 0 : i32
    %dma_wait3A_39 = tpu.memref_slice %arg5[%dma_wait3A_37, %dma_wait3A_38] : memref<50x128xi32, #tpu.memory_space<vmem>> -> memref<1x128xi32, #tpu.memory_space<vmem>>
    %dma_wait3A_40 = tpu.memref_squeeze %dma_wait3A_39 : memref<1x128xi32, #tpu.memory_space<vmem>> -> memref<128xi32, #tpu.memory_space<vmem>>
    %dma_wait3A_41 = arith.constant 0 : i32
    %dma_wait3A_42 = arith.constant 0 : i32
    %dma_wait3A_43 = tpu.memref_slice %arg3[%dma_wait3A_41, %dma_wait3A_42] : memref<100000x128xf32, #tpu.memory_space<hbm>> -> memref<100000x128xf32, #tpu.memory_space<hbm>>
    tpu.wait_indirect_dma semaphore(%arg13 : memref<!tpu.dma_semaphore, #tpu.memory_space<semaphore_mem>>) src(%dma_wait3A_43 : memref<100000x128xf32, #tpu.memory_space<hbm>>) dst(%arg7 : memref<128x128xf32, #tpu.memory_space<vmem>>)
    %dma_start3A_44 = arith.constant 0 : i32
    %dma_start3A_45 = arith.constant 0 : i32
    %dma_start3A_46 = tpu.memref_slice %arg10[%arg1, %dma_start3A_44, %dma_start3A_45] : memref<16x128x128xf32, #tpu.memory_space<vmem_shared>> -> memref<1x128x128xf32, #tpu.memory_space<vmem_shared>>
    %dma_start3A_47 = tpu.memref_squeeze %dma_start3A_46 : memref<1x128x128xf32, #tpu.memory_space<vmem_shared>> -> memref<128x128xf32, #tpu.memory_space<vmem_shared>>
    %dma_start3A_48 = arith.constant 0 : i32
    %dma_start3A_49 = arith.constant 0 : i32
    %dma_start3A_50 = tpu.memref_slice %arg10[%arg1, %dma_start3A_48, %dma_start3A_49] : memref<16x128x128xf32, #tpu.memory_space<vmem_shared>> -> memref<1x128x128xf32, #tpu.memory_space<vmem_shared>>
    %dma_start3A_51 = tpu.memref_squeeze %dma_start3A_50 : memref<1x128x128xf32, #tpu.memory_space<vmem_shared>> -> memref<128x128xf32, #tpu.memory_space<vmem_shared>>
    tpu.enqueue_dma source(%arg7 : memref<128x128xf32, #tpu.memory_space<vmem>>) target(%dma_start3A_51 : memref<128x128xf32, #tpu.memory_space<vmem_shared>>) target_semaphore(%arg16 : memref<!tpu.dma_semaphore, #tpu.memory_space<semaphore_mem>>)
    %dma_wait3A_52 = arith.constant 0 : i32
    %dma_wait3A_53 = arith.constant 0 : i32
    %dma_wait3A_54 = tpu.memref_slice %arg9[%arg1, %dma_wait3A_52, %dma_wait3A_53] : memref<16x128x128xf32, #tpu.memory_space<vmem_shared>> -> memref<1x128x128xf32, #tpu.memory_space<vmem_shared>>
    %dma_wait3A_55 = tpu.memref_squeeze %dma_wait3A_54 : memref<1x128x128xf32, #tpu.memory_space<vmem_shared>> -> memref<128x128xf32, #tpu.memory_space<vmem_shared>>
    %dma_wait3A_56 = arith.constant 0 : i32
    %dma_wait3A_57 = arith.constant 0 : i32
    %dma_wait3A_58 = tpu.memref_slice %arg9[%arg1, %dma_wait3A_56, %dma_wait3A_57] : memref<16x128x128xf32, #tpu.memory_space<vmem_shared>> -> memref<1x128x128xf32, #tpu.memory_space<vmem_shared>>
    %dma_wait3A_59 = tpu.memref_squeeze %dma_wait3A_58 : memref<1x128x128xf32, #tpu.memory_space<vmem_shared>> -> memref<128x128xf32, #tpu.memory_space<vmem_shared>>
    tpu.wait_dma2 semaphore(%arg15 : memref<!tpu.dma_semaphore, #tpu.memory_space<semaphore_mem>>) src(%arg6 : memref<128x128xf32, #tpu.memory_space<vmem>>) dst(%dma_wait3A_59 : memref<128x128xf32, #tpu.memory_space<vmem_shared>>)
    %dma_start3A_60 = arith.constant 0 : i32
    %dma_start3A_61 = arith.constant 0 : i32
    %dma_start3A_62 = tpu.memref_slice %arg4[%dma_start3A_60, %mul3A_2, %dma_start3A_61] : memref<50x4096x128xf32, #tpu.memory_space<hbm>> -> memref<1x128x128xf32, #tpu.memory_space<hbm>>
    %dma_start3A_63 = tpu.memref_squeeze %dma_start3A_62 : memref<1x128x128xf32, #tpu.memory_space<hbm>> -> memref<128x128xf32, #tpu.memory_space<hbm>>
    %dma_start3A_64 = arith.constant 0 : i32
    %dma_start3A_65 = arith.constant 0 : i32
    %dma_start3A_66 = tpu.memref_slice %arg9[%arg1, %dma_start3A_64, %dma_start3A_65] : memref<16x128x128xf32, #tpu.memory_space<vmem_shared>> -> memref<1x128x128xf32, #tpu.memory_space<vmem_shared>>
    %dma_start3A_67 = tpu.memref_squeeze %dma_start3A_66 : memref<1x128x128xf32, #tpu.memory_space<vmem_shared>> -> memref<128x128xf32, #tpu.memory_space<vmem_shared>>
    tpu.enqueue_dma source(%dma_start3A_67 : memref<128x128xf32, #tpu.memory_space<vmem_shared>>) target(%dma_start3A_63 : memref<128x128xf32, #tpu.memory_space<hbm>>) target_semaphore(%arg18 : memref<!tpu.dma_semaphore, #tpu.memory_space<semaphore_mem>>)
    %dma_start3A_68 = arith.constant 3 : i32
    %dma_start3A_69 = arith.constant 0 : i32
    %dma_start3A_70 = tpu.memref_slice %arg5[%dma_start3A_68, %dma_start3A_69] : memref<50x128xi32, #tpu.memory_space<vmem>> -> memref<1x128xi32, #tpu.memory_space<vmem>>
    %dma_start3A_71 = tpu.memref_squeeze %dma_start3A_70 : memref<1x128xi32, #tpu.memory_space<vmem>> -> memref<128xi32, #tpu.memory_space<vmem>>
    %dma_start3A_72 = arith.constant 0 : i32
    %dma_start3A_73 = arith.constant 0 : i32
    %dma_start3A_74 = tpu.memref_slice %arg3[%dma_start3A_72, %dma_start3A_73] : memref<100000x128xf32, #tpu.memory_space<hbm>> -> memref<100000x128xf32, #tpu.memory_space<hbm>>
    tpu.enqueue_indirect_dma source(%dma_start3A_74 : memref<100000x128xf32, #tpu.memory_space<hbm>>) target(%arg6 : memref<128x128xf32, #tpu.memory_space<vmem>>) offsets(%dma_start3A_71 : memref<128xi32, #tpu.memory_space<vmem>>) semaphore(%arg12 : memref<!tpu.dma_semaphore, #tpu.memory_space<semaphore_mem>>)
    %dma_wait3A_75 = arith.constant 2 : i32
    %dma_wait3A_76 = arith.constant 0 : i32
    %dma_wait3A_77 = tpu.memref_slice %arg5[%dma_wait3A_75, %dma_wait3A_76] : memref<50x128xi32, #tpu.memory_space<vmem>> -> memref<1x128xi32, #tpu.memory_space<vmem>>
    %dma_wait3A_78 = tpu.memref_squeeze %dma_wait3A_77 : memref<1x128xi32, #tpu.memory_space<vmem>> -> memref<128xi32, #tpu.memory_space<vmem>>
    %dma_wait3A_79 = arith.constant 0 : i32
    %dma_wait3A_80 = arith.constant 0 : i32
    %dma_wait3A_81 = tpu.memref_slice %arg3[%dma_wait3A_79, %dma_wait3A_80] : memref<100000x128xf32, #tpu.memory_space<hbm>> -> memref<100000x128xf32, #tpu.memory_space<hbm>>
    tpu.wait_indirect_dma semaphore(%arg14 : memref<!tpu.dma_semaphore, #tpu.memory_space<semaphore_mem>>) src(%dma_wait3A_81 : memref<100000x128xf32, #tpu.memory_space<hbm>>) dst(%arg8 : memref<128x128xf32, #tpu.memory_space<vmem>>)
    %dma_start3A_82 = arith.constant 0 : i32
    %dma_start3A_83 = arith.constant 0 : i32
    %dma_start3A_84 = tpu.memref_slice %arg11[%arg1, %dma_start3A_82, %dma_start3A_83] : memref<16x128x128xf32, #tpu.memory_space<vmem_shared>> -> memref<1x128x128xf32, #tpu.memory_space<vmem_shared>>
    %dma_start3A_85 = tpu.memref_squeeze %dma_start3A_84 : memref<1x128x128xf32, #tpu.memory_space<vmem_shared>> -> memref<128x128xf32, #tpu.memory_space<vmem_shared>>
    %dma_start3A_86 = arith.constant 0 : i32
    %dma_start3A_87 = arith.constant 0 : i32
    %dma_start3A_88 = tpu.memref_slice %arg11[%arg1, %dma_start3A_86, %dma_start3A_87] : memref<16x128x128xf32, #tpu.memory_space<vmem_shared>> -> memref<1x128x128xf32, #tpu.memory_space<vmem_shared>>
    %dma_start3A_89 = tpu.memref_squeeze %dma_start3A_88 : memref<1x128x128xf32, #tpu.memory_space<vmem_shared>> -> memref<128x128xf32, #tpu.memory_space<vmem_shared>>
    tpu.enqueue_dma source(%arg8 : memref<128x128xf32, #tpu.memory_space<vmem>>) target(%dma_start3A_89 : memref<128x128xf32, #tpu.memory_space<vmem_shared>>) target_semaphore(%arg17 : memref<!tpu.dma_semaphore, #tpu.memory_space<semaphore_mem>>)
    %dma_wait3A_90 = arith.constant 0 : i32
    %dma_wait3A_91 = arith.constant 0 : i32
    %dma_wait3A_92 = tpu.memref_slice %arg10[%arg1, %dma_wait3A_90, %dma_wait3A_91] : memref<16x128x128xf32, #tpu.memory_space<vmem_shared>> -> memref<1x128x128xf32, #tpu.memory_space<vmem_shared>>
    %dma_wait3A_93 = tpu.memref_squeeze %dma_wait3A_92 : memref<1x128x128xf32, #tpu.memory_space<vmem_shared>> -> memref<128x128xf32, #tpu.memory_space<vmem_shared>>
    %dma_wait3A_94 = arith.constant 0 : i32
    %dma_wait3A_95 = arith.constant 0 : i32
    %dma_wait3A_96 = tpu.memref_slice %arg10[%arg1, %dma_wait3A_94, %dma_wait3A_95] : memref<16x128x128xf32, #tpu.memory_space<vmem_shared>> -> memref<1x128x128xf32, #tpu.memory_space<vmem_shared>>
    %dma_wait3A_97 = tpu.memref_squeeze %dma_wait3A_96 : memref<1x128x128xf32, #tpu.memory_space<vmem_shared>> -> memref<128x128xf32, #tpu.memory_space<vmem_shared>>
    tpu.wait_dma2 semaphore(%arg16 : memref<!tpu.dma_semaphore, #tpu.memory_space<semaphore_mem>>) src(%arg7 : memref<128x128xf32, #tpu.memory_space<vmem>>) dst(%dma_wait3A_97 : memref<128x128xf32, #tpu.memory_space<vmem_shared>>)
    %dma_start3A_98 = arith.constant 1 : i32
    %dma_start3A_99 = arith.constant 0 : i32
    %dma_start3A_100 = tpu.memref_slice %arg4[%dma_start3A_98, %mul3A_2, %dma_start3A_99] : memref<50x4096x128xf32, #tpu.memory_space<hbm>> -> memref<1x128x128xf32, #tpu.memory_space<hbm>>
    %dma_start3A_101 = tpu.memref_squeeze %dma_start3A_100 : memref<1x128x128xf32, #tpu.memory_space<hbm>> -> memref<128x128xf32, #tpu.memory_space<hbm>>
    %dma_start3A_102 = arith.constant 0 : i32
    %dma_start3A_103 = arith.constant 0 : i32
    %dma_start3A_104 = tpu.memref_slice %arg10[%arg1, %dma_start3A_102, %dma_start3A_103] : memref<16x128x128xf32, #tpu.memory_space<vmem_shared>> -> memref<1x128x128xf32, #tpu.memory_space<vmem_shared>>
    %dma_start3A_105 = tpu.memref_squeeze %dma_start3A_104 : memref<1x128x128xf32, #tpu.memory_space<vmem_shared>> -> memref<128x128xf32, #tpu.memory_space<vmem_shared>>
    tpu.enqueue_dma source(%dma_start3A_105 : memref<128x128xf32, #tpu.memory_space<vmem_shared>>) target(%dma_start3A_101 : memref<128x128xf32, #tpu.memory_space<hbm>>) target_semaphore(%arg19 : memref<!tpu.dma_semaphore, #tpu.memory_space<semaphore_mem>>)
    %dma_start3A_106 = arith.constant 4 : i32
    %dma_start3A_107 = arith.constant 0 : i32
    %dma_start3A_108 = tpu.memref_slice %arg5[%dma_start3A_106, %dma_start3A_107] : memref<50x128xi32, #tpu.memory_space<vmem>> -> memref<1x128xi32, #tpu.memory_space<vmem>>
    %dma_start3A_109 = tpu.memref_squeeze %dma_start3A_108 : memref<1x128xi32, #tpu.memory_space<vmem>> -> memref<128xi32, #tpu.memory_space<vmem>>
    %dma_start3A_110 = arith.constant 0 : i32
    %dma_start3A_111 = arith.constant 0 : i32
    %dma_start3A_112 = tpu.memref_slice %arg3[%dma_start3A_110, %dma_start3A_111] : memref<100000x128xf32, #tpu.memory_space<hbm>> -> memref<100000x128xf32, #tpu.memory_space<hbm>>
    tpu.enqueue_indirect_dma source(%dma_start3A_112 : memref<100000x128xf32, #tpu.memory_space<hbm>>) target(%arg7 : memref<128x128xf32, #tpu.memory_space<vmem>>) offsets(%dma_start3A_109 : memref<128xi32, #tpu.memory_space<vmem>>) semaphore(%arg13 : memref<!tpu.dma_semaphore, #tpu.memory_space<semaphore_mem>>)
    %scan3A = arith.constant 0 : i32
    %scan3A_113 = arith.constant 15 : i32
    %scan3A_114 = arith.addi %scan3A, %scan3A_113 : i32
    %scan3A_115 = arith.constant 1 : i32
    scf.for %scan3A_235 = %scan3A to %scan3A_114 step %scan3A_115  : i32 {
      %mul3A_236 = arith.constant 3 : i32
      %mul3A_237 = arith.muli %scan3A_235, %mul3A_236 : i32
      %add3A_238 = arith.constant 3 : i32
      %add3A_239 = arith.addi %add3A_238, %mul3A_237 : i32
      %add3A_240 = arith.constant 0 : i32
      %add3A_241 = arith.addi %add3A_239, %add3A_240 : i32
      %sub3A = arith.constant 3 : i32
      %sub3A_242 = arith.subi %add3A_241, %sub3A : i32
      %dma_wait3A_243 = arith.constant 0 : i32
      %dma_wait3A_244 = tpu.memref_slice %arg4[%sub3A_242, %mul3A_2, %dma_wait3A_243] : memref<50x4096x128xf32, #tpu.memory_space<hbm>> -> memref<1x128x128xf32, #tpu.memory_space<hbm>>
      %dma_wait3A_245 = tpu.memref_squeeze %dma_wait3A_244 : memref<1x128x128xf32, #tpu.memory_space<hbm>> -> memref<128x128xf32, #tpu.memory_space<hbm>>
      %dma_wait3A_246 = arith.constant 0 : i32
      %dma_wait3A_247 = arith.constant 0 : i32
      %dma_wait3A_248 = tpu.memref_slice %arg9[%arg1, %dma_wait3A_246, %dma_wait3A_247] : memref<16x128x128xf32, #tpu.memory_space<vmem_shared>> -> memref<1x128x128xf32, #tpu.memory_space<vmem_shared>>
      %dma_wait3A_249 = tpu.memref_squeeze %dma_wait3A_248 : memref<1x128x128xf32, #tpu.memory_space<vmem_shared>> -> memref<128x128xf32, #tpu.memory_space<vmem_shared>>
      tpu.wait_dma2 semaphore(%arg18 : memref<!tpu.dma_semaphore, #tpu.memory_space<semaphore_mem>>) src(%dma_wait3A_249 : memref<128x128xf32, #tpu.memory_space<vmem_shared>>) dst(%dma_wait3A_245 : memref<128x128xf32, #tpu.memory_space<hbm>>)
      %dma_wait3A_250 = arith.constant 0 : i32
      %dma_wait3A_251 = tpu.memref_slice %arg5[%add3A_241, %dma_wait3A_250] : memref<50x128xi32, #tpu.memory_space<vmem>> -> memref<1x128xi32, #tpu.memory_space<vmem>>
      %dma_wait3A_252 = tpu.memref_squeeze %dma_wait3A_251 : memref<1x128xi32, #tpu.memory_space<vmem>> -> memref<128xi32, #tpu.memory_space<vmem>>
      %dma_wait3A_253 = arith.constant 0 : i32
      %dma_wait3A_254 = arith.constant 0 : i32
      %dma_wait3A_255 = tpu.memref_slice %arg3[%dma_wait3A_253, %dma_wait3A_254] : memref<100000x128xf32, #tpu.memory_space<hbm>> -> memref<100000x128xf32, #tpu.memory_space<hbm>>
      tpu.wait_indirect_dma semaphore(%arg12 : memref<!tpu.dma_semaphore, #tpu.memory_space<semaphore_mem>>) src(%dma_wait3A_255 : memref<100000x128xf32, #tpu.memory_space<hbm>>) dst(%arg6 : memref<128x128xf32, #tpu.memory_space<vmem>>)
      %dma_start3A_256 = arith.constant 0 : i32
      %dma_start3A_257 = arith.constant 0 : i32
      %dma_start3A_258 = tpu.memref_slice %arg9[%arg1, %dma_start3A_256, %dma_start3A_257] : memref<16x128x128xf32, #tpu.memory_space<vmem_shared>> -> memref<1x128x128xf32, #tpu.memory_space<vmem_shared>>
      %dma_start3A_259 = tpu.memref_squeeze %dma_start3A_258 : memref<1x128x128xf32, #tpu.memory_space<vmem_shared>> -> memref<128x128xf32, #tpu.memory_space<vmem_shared>>
      %dma_start3A_260 = arith.constant 0 : i32
      %dma_start3A_261 = arith.constant 0 : i32
      %dma_start3A_262 = tpu.memref_slice %arg9[%arg1, %dma_start3A_260, %dma_start3A_261] : memref<16x128x128xf32, #tpu.memory_space<vmem_shared>> -> memref<1x128x128xf32, #tpu.memory_space<vmem_shared>>
      %dma_start3A_263 = tpu.memref_squeeze %dma_start3A_262 : memref<1x128x128xf32, #tpu.memory_space<vmem_shared>> -> memref<128x128xf32, #tpu.memory_space<vmem_shared>>
      tpu.enqueue_dma source(%arg6 : memref<128x128xf32, #tpu.memory_space<vmem>>) target(%dma_start3A_263 : memref<128x128xf32, #tpu.memory_space<vmem_shared>>) target_semaphore(%arg15 : memref<!tpu.dma_semaphore, #tpu.memory_space<semaphore_mem>>)
      %sub3A_264 = arith.constant 1 : i32
      %sub3A_265 = arith.subi %add3A_241, %sub3A_264 : i32
      %dma_wait3A_266 = arith.constant 0 : i32
      %dma_wait3A_267 = arith.constant 0 : i32
      %dma_wait3A_268 = tpu.memref_slice %arg11[%arg1, %dma_wait3A_266, %dma_wait3A_267] : memref<16x128x128xf32, #tpu.memory_space<vmem_shared>> -> memref<1x128x128xf32, #tpu.memory_space<vmem_shared>>
      %dma_wait3A_269 = tpu.memref_squeeze %dma_wait3A_268 : memref<1x128x128xf32, #tpu.memory_space<vmem_shared>> -> memref<128x128xf32, #tpu.memory_space<vmem_shared>>
      %dma_wait3A_270 = arith.constant 0 : i32
      %dma_wait3A_271 = arith.constant 0 : i32
      %dma_wait3A_272 = tpu.memref_slice %arg11[%arg1, %dma_wait3A_270, %dma_wait3A_271] : memref<16x128x128xf32, #tpu.memory_space<vmem_shared>> -> memref<1x128x128xf32, #tpu.memory_space<vmem_shared>>
      %dma_wait3A_273 = tpu.memref_squeeze %dma_wait3A_272 : memref<1x128x128xf32, #tpu.memory_space<vmem_shared>> -> memref<128x128xf32, #tpu.memory_space<vmem_shared>>
      tpu.wait_dma2 semaphore(%arg17 : memref<!tpu.dma_semaphore, #tpu.memory_space<semaphore_mem>>) src(%arg8 : memref<128x128xf32, #tpu.memory_space<vmem>>) dst(%dma_wait3A_273 : memref<128x128xf32, #tpu.memory_space<vmem_shared>>)
      %sub3A_274 = arith.constant 1 : i32
      %sub3A_275 = arith.subi %add3A_241, %sub3A_274 : i32
      %dma_start3A_276 = arith.constant 0 : i32
      %dma_start3A_277 = tpu.memref_slice %arg4[%sub3A_275, %mul3A_2, %dma_start3A_276] : memref<50x4096x128xf32, #tpu.memory_space<hbm>> -> memref<1x128x128xf32, #tpu.memory_space<hbm>>
      %dma_start3A_278 = tpu.memref_squeeze %dma_start3A_277 : memref<1x128x128xf32, #tpu.memory_space<hbm>> -> memref<128x128xf32, #tpu.memory_space<hbm>>
      %dma_start3A_279 = arith.constant 0 : i32
      %dma_start3A_280 = arith.constant 0 : i32
      %dma_start3A_281 = tpu.memref_slice %arg11[%arg1, %dma_start3A_279, %dma_start3A_280] : memref<16x128x128xf32, #tpu.memory_space<vmem_shared>> -> memref<1x128x128xf32, #tpu.memory_space<vmem_shared>>
      %dma_start3A_282 = tpu.memref_squeeze %dma_start3A_281 : memref<1x128x128xf32, #tpu.memory_space<vmem_shared>> -> memref<128x128xf32, #tpu.memory_space<vmem_shared>>
      tpu.enqueue_dma source(%dma_start3A_282 : memref<128x128xf32, #tpu.memory_space<vmem_shared>>) target(%dma_start3A_278 : memref<128x128xf32, #tpu.memory_space<hbm>>) target_semaphore(%arg20 : memref<!tpu.dma_semaphore, #tpu.memory_space<semaphore_mem>>)
      %add3A_283 = arith.constant 2 : i32
      %add3A_284 = arith.addi %add3A_241, %add3A_283 : i32
      %dma_start3A_285 = arith.constant 0 : i32
      %dma_start3A_286 = tpu.memref_slice %arg5[%add3A_284, %dma_start3A_285] : memref<50x128xi32, #tpu.memory_space<vmem>> -> memref<1x128xi32, #tpu.memory_space<vmem>>
      %dma_start3A_287 = tpu.memref_squeeze %dma_start3A_286 : memref<1x128xi32, #tpu.memory_space<vmem>> -> memref<128xi32, #tpu.memory_space<vmem>>
      %dma_start3A_288 = arith.constant 0 : i32
      %dma_start3A_289 = arith.constant 0 : i32
      %dma_start3A_290 = tpu.memref_slice %arg3[%dma_start3A_288, %dma_start3A_289] : memref<100000x128xf32, #tpu.memory_space<hbm>> -> memref<100000x128xf32, #tpu.memory_space<hbm>>
      tpu.enqueue_indirect_dma source(%dma_start3A_290 : memref<100000x128xf32, #tpu.memory_space<hbm>>) target(%arg8 : memref<128x128xf32, #tpu.memory_space<vmem>>) offsets(%dma_start3A_287 : memref<128xi32, #tpu.memory_space<vmem>>) semaphore(%arg14 : memref<!tpu.dma_semaphore, #tpu.memory_space<semaphore_mem>>)
      %add3A_291 = arith.constant 1 : i32
      %add3A_292 = arith.addi %add3A_239, %add3A_291 : i32
      %sub3A_293 = arith.constant 3 : i32
      %sub3A_294 = arith.subi %add3A_292, %sub3A_293 : i32
      %dma_wait3A_295 = arith.constant 0 : i32
      %dma_wait3A_296 = tpu.memref_slice %arg4[%sub3A_294, %mul3A_2, %dma_wait3A_295] : memref<50x4096x128xf32, #tpu.memory_space<hbm>> -> memref<1x128x128xf32, #tpu.memory_space<hbm>>
      %dma_wait3A_297 = tpu.memref_squeeze %dma_wait3A_296 : memref<1x128x128xf32, #tpu.memory_space<hbm>> -> memref<128x128xf32, #tpu.memory_space<hbm>>
      %dma_wait3A_298 = arith.constant 0 : i32
      %dma_wait3A_299 = arith.constant 0 : i32
      %dma_wait3A_300 = tpu.memref_slice %arg10[%arg1, %dma_wait3A_298, %dma_wait3A_299] : memref<16x128x128xf32, #tpu.memory_space<vmem_shared>> -> memref<1x128x128xf32, #tpu.memory_space<vmem_shared>>
      %dma_wait3A_301 = tpu.memref_squeeze %dma_wait3A_300 : memref<1x128x128xf32, #tpu.memory_space<vmem_shared>> -> memref<128x128xf32, #tpu.memory_space<vmem_shared>>
      tpu.wait_dma2 semaphore(%arg19 : memref<!tpu.dma_semaphore, #tpu.memory_space<semaphore_mem>>) src(%dma_wait3A_301 : memref<128x128xf32, #tpu.memory_space<vmem_shared>>) dst(%dma_wait3A_297 : memref<128x128xf32, #tpu.memory_space<hbm>>)
      %dma_wait3A_302 = arith.constant 0 : i32
      %dma_wait3A_303 = tpu.memref_slice %arg5[%add3A_292, %dma_wait3A_302] : memref<50x128xi32, #tpu.memory_space<vmem>> -> memref<1x128xi32, #tpu.memory_space<vmem>>
      %dma_wait3A_304 = tpu.memref_squeeze %dma_wait3A_303 : memref<1x128xi32, #tpu.memory_space<vmem>> -> memref<128xi32, #tpu.memory_space<vmem>>
      %dma_wait3A_305 = arith.constant 0 : i32
      %dma_wait3A_306 = arith.constant 0 : i32
      %dma_wait3A_307 = tpu.memref_slice %arg3[%dma_wait3A_305, %dma_wait3A_306] : memref<100000x128xf32, #tpu.memory_space<hbm>> -> memref<100000x128xf32, #tpu.memory_space<hbm>>
      tpu.wait_indirect_dma semaphore(%arg13 : memref<!tpu.dma_semaphore, #tpu.memory_space<semaphore_mem>>) src(%dma_wait3A_307 : memref<100000x128xf32, #tpu.memory_space<hbm>>) dst(%arg7 : memref<128x128xf32, #tpu.memory_space<vmem>>)
      %dma_start3A_308 = arith.constant 0 : i32
      %dma_start3A_309 = arith.constant 0 : i32
      %dma_start3A_310 = tpu.memref_slice %arg10[%arg1, %dma_start3A_308, %dma_start3A_309] : memref<16x128x128xf32, #tpu.memory_space<vmem_shared>> -> memref<1x128x128xf32, #tpu.memory_space<vmem_shared>>
      %dma_start3A_311 = tpu.memref_squeeze %dma_start3A_310 : memref<1x128x128xf32, #tpu.memory_space<vmem_shared>> -> memref<128x128xf32, #tpu.memory_space<vmem_shared>>
      %dma_start3A_312 = arith.constant 0 : i32
      %dma_start3A_313 = arith.constant 0 : i32
      %dma_start3A_314 = tpu.memref_slice %arg10[%arg1, %dma_start3A_312, %dma_start3A_313] : memref<16x128x128xf32, #tpu.memory_space<vmem_shared>> -> memref<1x128x128xf32, #tpu.memory_space<vmem_shared>>
      %dma_start3A_315 = tpu.memref_squeeze %dma_start3A_314 : memref<1x128x128xf32, #tpu.memory_space<vmem_shared>> -> memref<128x128xf32, #tpu.memory_space<vmem_shared>>
      tpu.enqueue_dma source(%arg7 : memref<128x128xf32, #tpu.memory_space<vmem>>) target(%dma_start3A_315 : memref<128x128xf32, #tpu.memory_space<vmem_shared>>) target_semaphore(%arg16 : memref<!tpu.dma_semaphore, #tpu.memory_space<semaphore_mem>>)
      %sub3A_316 = arith.constant 1 : i32
      %sub3A_317 = arith.subi %add3A_292, %sub3A_316 : i32
      %dma_wait3A_318 = arith.constant 0 : i32
      %dma_wait3A_319 = arith.constant 0 : i32
      %dma_wait3A_320 = tpu.memref_slice %arg9[%arg1, %dma_wait3A_318, %dma_wait3A_319] : memref<16x128x128xf32, #tpu.memory_space<vmem_shared>> -> memref<1x128x128xf32, #tpu.memory_space<vmem_shared>>
      %dma_wait3A_321 = tpu.memref_squeeze %dma_wait3A_320 : memref<1x128x128xf32, #tpu.memory_space<vmem_shared>> -> memref<128x128xf32, #tpu.memory_space<vmem_shared>>
      %dma_wait3A_322 = arith.constant 0 : i32
      %dma_wait3A_323 = arith.constant 0 : i32
      %dma_wait3A_324 = tpu.memref_slice %arg9[%arg1, %dma_wait3A_322, %dma_wait3A_323] : memref<16x128x128xf32, #tpu.memory_space<vmem_shared>> -> memref<1x128x128xf32, #tpu.memory_space<vmem_shared>>
      %dma_wait3A_325 = tpu.memref_squeeze %dma_wait3A_324 : memref<1x128x128xf32, #tpu.memory_space<vmem_shared>> -> memref<128x128xf32, #tpu.memory_space<vmem_shared>>
      tpu.wait_dma2 semaphore(%arg15 : memref<!tpu.dma_semaphore, #tpu.memory_space<semaphore_mem>>) src(%arg6 : memref<128x128xf32, #tpu.memory_space<vmem>>) dst(%dma_wait3A_325 : memref<128x128xf32, #tpu.memory_space<vmem_shared>>)
      %sub3A_326 = arith.constant 1 : i32
      %sub3A_327 = arith.subi %add3A_292, %sub3A_326 : i32
      %dma_start3A_328 = arith.constant 0 : i32
      %dma_start3A_329 = tpu.memref_slice %arg4[%sub3A_327, %mul3A_2, %dma_start3A_328] : memref<50x4096x128xf32, #tpu.memory_space<hbm>> -> memref<1x128x128xf32, #tpu.memory_space<hbm>>
      %dma_start3A_330 = tpu.memref_squeeze %dma_start3A_329 : memref<1x128x128xf32, #tpu.memory_space<hbm>> -> memref<128x128xf32, #tpu.memory_space<hbm>>
      %dma_start3A_331 = arith.constant 0 : i32
      %dma_start3A_332 = arith.constant 0 : i32
      %dma_start3A_333 = tpu.memref_slice %arg9[%arg1, %dma_start3A_331, %dma_start3A_332] : memref<16x128x128xf32, #tpu.memory_space<vmem_shared>> -> memref<1x128x128xf32, #tpu.memory_space<vmem_shared>>
      %dma_start3A_334 = tpu.memref_squeeze %dma_start3A_333 : memref<1x128x128xf32, #tpu.memory_space<vmem_shared>> -> memref<128x128xf32, #tpu.memory_space<vmem_shared>>
      tpu.enqueue_dma source(%dma_start3A_334 : memref<128x128xf32, #tpu.memory_space<vmem_shared>>) target(%dma_start3A_330 : memref<128x128xf32, #tpu.memory_space<hbm>>) target_semaphore(%arg18 : memref<!tpu.dma_semaphore, #tpu.memory_space<semaphore_mem>>)
      %add3A_335 = arith.constant 2 : i32
      %add3A_336 = arith.addi %add3A_292, %add3A_335 : i32
      %dma_start3A_337 = arith.constant 0 : i32
      %dma_start3A_338 = tpu.memref_slice %arg5[%add3A_336, %dma_start3A_337] : memref<50x128xi32, #tpu.memory_space<vmem>> -> memref<1x128xi32, #tpu.memory_space<vmem>>
      %dma_start3A_339 = tpu.memref_squeeze %dma_start3A_338 : memref<1x128xi32, #tpu.memory_space<vmem>> -> memref<128xi32, #tpu.memory_space<vmem>>
      %dma_start3A_340 = arith.constant 0 : i32
      %dma_start3A_341 = arith.constant 0 : i32
      %dma_start3A_342 = tpu.memref_slice %arg3[%dma_start3A_340, %dma_start3A_341] : memref<100000x128xf32, #tpu.memory_space<hbm>> -> memref<100000x128xf32, #tpu.memory_space<hbm>>
      tpu.enqueue_indirect_dma source(%dma_start3A_342 : memref<100000x128xf32, #tpu.memory_space<hbm>>) target(%arg6 : memref<128x128xf32, #tpu.memory_space<vmem>>) offsets(%dma_start3A_339 : memref<128xi32, #tpu.memory_space<vmem>>) semaphore(%arg12 : memref<!tpu.dma_semaphore, #tpu.memory_space<semaphore_mem>>)
      %add3A_343 = arith.constant 2 : i32
      %add3A_344 = arith.addi %add3A_239, %add3A_343 : i32
      %sub3A_345 = arith.constant 3 : i32
      %sub3A_346 = arith.subi %add3A_344, %sub3A_345 : i32
      %dma_wait3A_347 = arith.constant 0 : i32
      %dma_wait3A_348 = tpu.memref_slice %arg4[%sub3A_346, %mul3A_2, %dma_wait3A_347] : memref<50x4096x128xf32, #tpu.memory_space<hbm>> -> memref<1x128x128xf32, #tpu.memory_space<hbm>>
      %dma_wait3A_349 = tpu.memref_squeeze %dma_wait3A_348 : memref<1x128x128xf32, #tpu.memory_space<hbm>> -> memref<128x128xf32, #tpu.memory_space<hbm>>
      %dma_wait3A_350 = arith.constant 0 : i32
      %dma_wait3A_351 = arith.constant 0 : i32
      %dma_wait3A_352 = tpu.memref_slice %arg11[%arg1, %dma_wait3A_350, %dma_wait3A_351] : memref<16x128x128xf32, #tpu.memory_space<vmem_shared>> -> memref<1x128x128xf32, #tpu.memory_space<vmem_shared>>
      %dma_wait3A_353 = tpu.memref_squeeze %dma_wait3A_352 : memref<1x128x128xf32, #tpu.memory_space<vmem_shared>> -> memref<128x128xf32, #tpu.memory_space<vmem_shared>>
      tpu.wait_dma2 semaphore(%arg20 : memref<!tpu.dma_semaphore, #tpu.memory_space<semaphore_mem>>) src(%dma_wait3A_353 : memref<128x128xf32, #tpu.memory_space<vmem_shared>>) dst(%dma_wait3A_349 : memref<128x128xf32, #tpu.memory_space<hbm>>)
      %dma_wait3A_354 = arith.constant 0 : i32
      %dma_wait3A_355 = tpu.memref_slice %arg5[%add3A_344, %dma_wait3A_354] : memref<50x128xi32, #tpu.memory_space<vmem>> -> memref<1x128xi32, #tpu.memory_space<vmem>>
      %dma_wait3A_356 = tpu.memref_squeeze %dma_wait3A_355 : memref<1x128xi32, #tpu.memory_space<vmem>> -> memref<128xi32, #tpu.memory_space<vmem>>
      %dma_wait3A_357 = arith.constant 0 : i32
      %dma_wait3A_358 = arith.constant 0 : i32
      %dma_wait3A_359 = tpu.memref_slice %arg3[%dma_wait3A_357, %dma_wait3A_358] : memref<100000x128xf32, #tpu.memory_space<hbm>> -> memref<100000x128xf32, #tpu.memory_space<hbm>>
      tpu.wait_indirect_dma semaphore(%arg14 : memref<!tpu.dma_semaphore, #tpu.memory_space<semaphore_mem>>) src(%dma_wait3A_359 : memref<100000x128xf32, #tpu.memory_space<hbm>>) dst(%arg8 : memref<128x128xf32, #tpu.memory_space<vmem>>)
      %dma_start3A_360 = arith.constant 0 : i32
      %dma_start3A_361 = arith.constant 0 : i32
      %dma_start3A_362 = tpu.memref_slice %arg11[%arg1, %dma_start3A_360, %dma_start3A_361] : memref<16x128x128xf32, #tpu.memory_space<vmem_shared>> -> memref<1x128x128xf32, #tpu.memory_space<vmem_shared>>
      %dma_start3A_363 = tpu.memref_squeeze %dma_start3A_362 : memref<1x128x128xf32, #tpu.memory_space<vmem_shared>> -> memref<128x128xf32, #tpu.memory_space<vmem_shared>>
      %dma_start3A_364 = arith.constant 0 : i32
      %dma_start3A_365 = arith.constant 0 : i32
      %dma_start3A_366 = tpu.memref_slice %arg11[%arg1, %dma_start3A_364, %dma_start3A_365] : memref<16x128x128xf32, #tpu.memory_space<vmem_shared>> -> memref<1x128x128xf32, #tpu.memory_space<vmem_shared>>
      %dma_start3A_367 = tpu.memref_squeeze %dma_start3A_366 : memref<1x128x128xf32, #tpu.memory_space<vmem_shared>> -> memref<128x128xf32, #tpu.memory_space<vmem_shared>>
      tpu.enqueue_dma source(%arg8 : memref<128x128xf32, #tpu.memory_space<vmem>>) target(%dma_start3A_367 : memref<128x128xf32, #tpu.memory_space<vmem_shared>>) target_semaphore(%arg17 : memref<!tpu.dma_semaphore, #tpu.memory_space<semaphore_mem>>)
      %sub3A_368 = arith.constant 1 : i32
      %sub3A_369 = arith.subi %add3A_344, %sub3A_368 : i32
      %dma_wait3A_370 = arith.constant 0 : i32
      %dma_wait3A_371 = arith.constant 0 : i32
      %dma_wait3A_372 = tpu.memref_slice %arg10[%arg1, %dma_wait3A_370, %dma_wait3A_371] : memref<16x128x128xf32, #tpu.memory_space<vmem_shared>> -> memref<1x128x128xf32, #tpu.memory_space<vmem_shared>>
      %dma_wait3A_373 = tpu.memref_squeeze %dma_wait3A_372 : memref<1x128x128xf32, #tpu.memory_space<vmem_shared>> -> memref<128x128xf32, #tpu.memory_space<vmem_shared>>
      %dma_wait3A_374 = arith.constant 0 : i32
      %dma_wait3A_375 = arith.constant 0 : i32
      %dma_wait3A_376 = tpu.memref_slice %arg10[%arg1, %dma_wait3A_374, %dma_wait3A_375] : memref<16x128x128xf32, #tpu.memory_space<vmem_shared>> -> memref<1x128x128xf32, #tpu.memory_space<vmem_shared>>
      %dma_wait3A_377 = tpu.memref_squeeze %dma_wait3A_376 : memref<1x128x128xf32, #tpu.memory_space<vmem_shared>> -> memref<128x128xf32, #tpu.memory_space<vmem_shared>>
      tpu.wait_dma2 semaphore(%arg16 : memref<!tpu.dma_semaphore, #tpu.memory_space<semaphore_mem>>) src(%arg7 : memref<128x128xf32, #tpu.memory_space<vmem>>) dst(%dma_wait3A_377 : memref<128x128xf32, #tpu.memory_space<vmem_shared>>)
      %sub3A_378 = arith.constant 1 : i32
      %sub3A_379 = arith.subi %add3A_344, %sub3A_378 : i32
      %dma_start3A_380 = arith.constant 0 : i32
      %dma_start3A_381 = tpu.memref_slice %arg4[%sub3A_379, %mul3A_2, %dma_start3A_380] : memref<50x4096x128xf32, #tpu.memory_space<hbm>> -> memref<1x128x128xf32, #tpu.memory_space<hbm>>
      %dma_start3A_382 = tpu.memref_squeeze %dma_start3A_381 : memref<1x128x128xf32, #tpu.memory_space<hbm>> -> memref<128x128xf32, #tpu.memory_space<hbm>>
      %dma_start3A_383 = arith.constant 0 : i32
      %dma_start3A_384 = arith.constant 0 : i32
      %dma_start3A_385 = tpu.memref_slice %arg10[%arg1, %dma_start3A_383, %dma_start3A_384] : memref<16x128x128xf32, #tpu.memory_space<vmem_shared>> -> memref<1x128x128xf32, #tpu.memory_space<vmem_shared>>
      %dma_start3A_386 = tpu.memref_squeeze %dma_start3A_385 : memref<1x128x128xf32, #tpu.memory_space<vmem_shared>> -> memref<128x128xf32, #tpu.memory_space<vmem_shared>>
      tpu.enqueue_dma source(%dma_start3A_386 : memref<128x128xf32, #tpu.memory_space<vmem_shared>>) target(%dma_start3A_382 : memref<128x128xf32, #tpu.memory_space<hbm>>) target_semaphore(%arg19 : memref<!tpu.dma_semaphore, #tpu.memory_space<semaphore_mem>>)
      %add3A_387 = arith.constant 2 : i32
      %add3A_388 = arith.addi %add3A_344, %add3A_387 : i32
      %dma_start3A_389 = arith.constant 0 : i32
      %dma_start3A_390 = tpu.memref_slice %arg5[%add3A_388, %dma_start3A_389] : memref<50x128xi32, #tpu.memory_space<vmem>> -> memref<1x128xi32, #tpu.memory_space<vmem>>
      %dma_start3A_391 = tpu.memref_squeeze %dma_start3A_390 : memref<1x128xi32, #tpu.memory_space<vmem>> -> memref<128xi32, #tpu.memory_space<vmem>>
      %dma_start3A_392 = arith.constant 0 : i32
      %dma_start3A_393 = arith.constant 0 : i32
      %dma_start3A_394 = tpu.memref_slice %arg3[%dma_start3A_392, %dma_start3A_393] : memref<100000x128xf32, #tpu.memory_space<hbm>> -> memref<100000x128xf32, #tpu.memory_space<hbm>>
      tpu.enqueue_indirect_dma source(%dma_start3A_394 : memref<100000x128xf32, #tpu.memory_space<hbm>>) target(%arg7 : memref<128x128xf32, #tpu.memory_space<vmem>>) offsets(%dma_start3A_391 : memref<128xi32, #tpu.memory_space<vmem>>) semaphore(%arg13 : memref<!tpu.dma_semaphore, #tpu.memory_space<semaphore_mem>>)
    }
    %scan3A_116 = arith.constant 15 : i32
    %dma_wait3A_117 = arith.constant 45 : i32
    %dma_wait3A_118 = arith.constant 0 : i32
    %dma_wait3A_119 = tpu.memref_slice %arg4[%dma_wait3A_117, %mul3A_2, %dma_wait3A_118] : memref<50x4096x128xf32, #tpu.memory_space<hbm>> -> memref<1x128x128xf32, #tpu.memory_space<hbm>>
    %dma_wait3A_120 = tpu.memref_squeeze %dma_wait3A_119 : memref<1x128x128xf32, #tpu.memory_space<hbm>> -> memref<128x128xf32, #tpu.memory_space<hbm>>
    %dma_wait3A_121 = arith.constant 0 : i32
    %dma_wait3A_122 = arith.constant 0 : i32
    %dma_wait3A_123 = tpu.memref_slice %arg9[%arg1, %dma_wait3A_121, %dma_wait3A_122] : memref<16x128x128xf32, #tpu.memory_space<vmem_shared>> -> memref<1x128x128xf32, #tpu.memory_space<vmem_shared>>
    %dma_wait3A_124 = tpu.memref_squeeze %dma_wait3A_123 : memref<1x128x128xf32, #tpu.memory_space<vmem_shared>> -> memref<128x128xf32, #tpu.memory_space<vmem_shared>>
    tpu.wait_dma2 semaphore(%arg18 : memref<!tpu.dma_semaphore, #tpu.memory_space<semaphore_mem>>) src(%dma_wait3A_124 : memref<128x128xf32, #tpu.memory_space<vmem_shared>>) dst(%dma_wait3A_120 : memref<128x128xf32, #tpu.memory_space<hbm>>)
    %dma_wait3A_125 = arith.constant 48 : i32
    %dma_wait3A_126 = arith.constant 0 : i32
    %dma_wait3A_127 = tpu.memref_slice %arg5[%dma_wait3A_125, %dma_wait3A_126] : memref<50x128xi32, #tpu.memory_space<vmem>> -> memref<1x128xi32, #tpu.memory_space<vmem>>
    %dma_wait3A_128 = tpu.memref_squeeze %dma_wait3A_127 : memref<1x128xi32, #tpu.memory_space<vmem>> -> memref<128xi32, #tpu.memory_space<vmem>>
    %dma_wait3A_129 = arith.constant 0 : i32
    %dma_wait3A_130 = arith.constant 0 : i32
    %dma_wait3A_131 = tpu.memref_slice %arg3[%dma_wait3A_129, %dma_wait3A_130] : memref<100000x128xf32, #tpu.memory_space<hbm>> -> memref<100000x128xf32, #tpu.memory_space<hbm>>
    tpu.wait_indirect_dma semaphore(%arg12 : memref<!tpu.dma_semaphore, #tpu.memory_space<semaphore_mem>>) src(%dma_wait3A_131 : memref<100000x128xf32, #tpu.memory_space<hbm>>) dst(%arg6 : memref<128x128xf32, #tpu.memory_space<vmem>>)
    %dma_start3A_132 = arith.constant 0 : i32
    %dma_start3A_133 = arith.constant 0 : i32
    %dma_start3A_134 = tpu.memref_slice %arg9[%arg1, %dma_start3A_132, %dma_start3A_133] : memref<16x128x128xf32, #tpu.memory_space<vmem_shared>> -> memref<1x128x128xf32, #tpu.memory_space<vmem_shared>>
    %dma_start3A_135 = tpu.memref_squeeze %dma_start3A_134 : memref<1x128x128xf32, #tpu.memory_space<vmem_shared>> -> memref<128x128xf32, #tpu.memory_space<vmem_shared>>
    %dma_start3A_136 = arith.constant 0 : i32
    %dma_start3A_137 = arith.constant 0 : i32
    %dma_start3A_138 = tpu.memref_slice %arg9[%arg1, %dma_start3A_136, %dma_start3A_137] : memref<16x128x128xf32, #tpu.memory_space<vmem_shared>> -> memref<1x128x128xf32, #tpu.memory_space<vmem_shared>>
    %dma_start3A_139 = tpu.memref_squeeze %dma_start3A_138 : memref<1x128x128xf32, #tpu.memory_space<vmem_shared>> -> memref<128x128xf32, #tpu.memory_space<vmem_shared>>
    tpu.enqueue_dma source(%arg6 : memref<128x128xf32, #tpu.memory_space<vmem>>) target(%dma_start3A_139 : memref<128x128xf32, #tpu.memory_space<vmem_shared>>) target_semaphore(%arg15 : memref<!tpu.dma_semaphore, #tpu.memory_space<semaphore_mem>>)
    %dma_wait3A_140 = arith.constant 0 : i32
    %dma_wait3A_141 = arith.constant 0 : i32
    %dma_wait3A_142 = tpu.memref_slice %arg11[%arg1, %dma_wait3A_140, %dma_wait3A_141] : memref<16x128x128xf32, #tpu.memory_space<vmem_shared>> -> memref<1x128x128xf32, #tpu.memory_space<vmem_shared>>
    %dma_wait3A_143 = tpu.memref_squeeze %dma_wait3A_142 : memref<1x128x128xf32, #tpu.memory_space<vmem_shared>> -> memref<128x128xf32, #tpu.memory_space<vmem_shared>>
    %dma_wait3A_144 = arith.constant 0 : i32
    %dma_wait3A_145 = arith.constant 0 : i32
    %dma_wait3A_146 = tpu.memref_slice %arg11[%arg1, %dma_wait3A_144, %dma_wait3A_145] : memref<16x128x128xf32, #tpu.memory_space<vmem_shared>> -> memref<1x128x128xf32, #tpu.memory_space<vmem_shared>>
    %dma_wait3A_147 = tpu.memref_squeeze %dma_wait3A_146 : memref<1x128x128xf32, #tpu.memory_space<vmem_shared>> -> memref<128x128xf32, #tpu.memory_space<vmem_shared>>
    tpu.wait_dma2 semaphore(%arg17 : memref<!tpu.dma_semaphore, #tpu.memory_space<semaphore_mem>>) src(%arg8 : memref<128x128xf32, #tpu.memory_space<vmem>>) dst(%dma_wait3A_147 : memref<128x128xf32, #tpu.memory_space<vmem_shared>>)
    %dma_start3A_148 = arith.constant 47 : i32
    %dma_start3A_149 = arith.constant 0 : i32
    %dma_start3A_150 = tpu.memref_slice %arg4[%dma_start3A_148, %mul3A_2, %dma_start3A_149] : memref<50x4096x128xf32, #tpu.memory_space<hbm>> -> memref<1x128x128xf32, #tpu.memory_space<hbm>>
    %dma_start3A_151 = tpu.memref_squeeze %dma_start3A_150 : memref<1x128x128xf32, #tpu.memory_space<hbm>> -> memref<128x128xf32, #tpu.memory_space<hbm>>
    %dma_start3A_152 = arith.constant 0 : i32
    %dma_start3A_153 = arith.constant 0 : i32
    %dma_start3A_154 = tpu.memref_slice %arg11[%arg1, %dma_start3A_152, %dma_start3A_153] : memref<16x128x128xf32, #tpu.memory_space<vmem_shared>> -> memref<1x128x128xf32, #tpu.memory_space<vmem_shared>>
    %dma_start3A_155 = tpu.memref_squeeze %dma_start3A_154 : memref<1x128x128xf32, #tpu.memory_space<vmem_shared>> -> memref<128x128xf32, #tpu.memory_space<vmem_shared>>
    tpu.enqueue_dma source(%dma_start3A_155 : memref<128x128xf32, #tpu.memory_space<vmem_shared>>) target(%dma_start3A_151 : memref<128x128xf32, #tpu.memory_space<hbm>>) target_semaphore(%arg20 : memref<!tpu.dma_semaphore, #tpu.memory_space<semaphore_mem>>)
    %dma_wait3A_156 = arith.constant 46 : i32
    %dma_wait3A_157 = arith.constant 0 : i32
    %dma_wait3A_158 = tpu.memref_slice %arg4[%dma_wait3A_156, %mul3A_2, %dma_wait3A_157] : memref<50x4096x128xf32, #tpu.memory_space<hbm>> -> memref<1x128x128xf32, #tpu.memory_space<hbm>>
    %dma_wait3A_159 = tpu.memref_squeeze %dma_wait3A_158 : memref<1x128x128xf32, #tpu.memory_space<hbm>> -> memref<128x128xf32, #tpu.memory_space<hbm>>
    %dma_wait3A_160 = arith.constant 0 : i32
    %dma_wait3A_161 = arith.constant 0 : i32
    %dma_wait3A_162 = tpu.memref_slice %arg10[%arg1, %dma_wait3A_160, %dma_wait3A_161] : memref<16x128x128xf32, #tpu.memory_space<vmem_shared>> -> memref<1x128x128xf32, #tpu.memory_space<vmem_shared>>
    %dma_wait3A_163 = tpu.memref_squeeze %dma_wait3A_162 : memref<1x128x128xf32, #tpu.memory_space<vmem_shared>> -> memref<128x128xf32, #tpu.memory_space<vmem_shared>>
    tpu.wait_dma2 semaphore(%arg19 : memref<!tpu.dma_semaphore, #tpu.memory_space<semaphore_mem>>) src(%dma_wait3A_163 : memref<128x128xf32, #tpu.memory_space<vmem_shared>>) dst(%dma_wait3A_159 : memref<128x128xf32, #tpu.memory_space<hbm>>)
    %dma_wait3A_164 = arith.constant 49 : i32
    %dma_wait3A_165 = arith.constant 0 : i32
    %dma_wait3A_166 = tpu.memref_slice %arg5[%dma_wait3A_164, %dma_wait3A_165] : memref<50x128xi32, #tpu.memory_space<vmem>> -> memref<1x128xi32, #tpu.memory_space<vmem>>
    %dma_wait3A_167 = tpu.memref_squeeze %dma_wait3A_166 : memref<1x128xi32, #tpu.memory_space<vmem>> -> memref<128xi32, #tpu.memory_space<vmem>>
    %dma_wait3A_168 = arith.constant 0 : i32
    %dma_wait3A_169 = arith.constant 0 : i32
    %dma_wait3A_170 = tpu.memref_slice %arg3[%dma_wait3A_168, %dma_wait3A_169] : memref<100000x128xf32, #tpu.memory_space<hbm>> -> memref<100000x128xf32, #tpu.memory_space<hbm>>
    tpu.wait_indirect_dma semaphore(%arg13 : memref<!tpu.dma_semaphore, #tpu.memory_space<semaphore_mem>>) src(%dma_wait3A_170 : memref<100000x128xf32, #tpu.memory_space<hbm>>) dst(%arg7 : memref<128x128xf32, #tpu.memory_space<vmem>>)
    %dma_start3A_171 = arith.constant 0 : i32
    %dma_start3A_172 = arith.constant 0 : i32
    %dma_start3A_173 = tpu.memref_slice %arg10[%arg1, %dma_start3A_171, %dma_start3A_172] : memref<16x128x128xf32, #tpu.memory_space<vmem_shared>> -> memref<1x128x128xf32, #tpu.memory_space<vmem_shared>>
    %dma_start3A_174 = tpu.memref_squeeze %dma_start3A_173 : memref<1x128x128xf32, #tpu.memory_space<vmem_shared>> -> memref<128x128xf32, #tpu.memory_space<vmem_shared>>
    %dma_start3A_175 = arith.constant 0 : i32
    %dma_start3A_176 = arith.constant 0 : i32
    %dma_start3A_177 = tpu.memref_slice %arg10[%arg1, %dma_start3A_175, %dma_start3A_176] : memref<16x128x128xf32, #tpu.memory_space<vmem_shared>> -> memref<1x128x128xf32, #tpu.memory_space<vmem_shared>>
    %dma_start3A_178 = tpu.memref_squeeze %dma_start3A_177 : memref<1x128x128xf32, #tpu.memory_space<vmem_shared>> -> memref<128x128xf32, #tpu.memory_space<vmem_shared>>
    tpu.enqueue_dma source(%arg7 : memref<128x128xf32, #tpu.memory_space<vmem>>) target(%dma_start3A_178 : memref<128x128xf32, #tpu.memory_space<vmem_shared>>) target_semaphore(%arg16 : memref<!tpu.dma_semaphore, #tpu.memory_space<semaphore_mem>>)
    %dma_wait3A_179 = arith.constant 0 : i32
    %dma_wait3A_180 = arith.constant 0 : i32
    %dma_wait3A_181 = tpu.memref_slice %arg9[%arg1, %dma_wait3A_179, %dma_wait3A_180] : memref<16x128x128xf32, #tpu.memory_space<vmem_shared>> -> memref<1x128x128xf32, #tpu.memory_space<vmem_shared>>
    %dma_wait3A_182 = tpu.memref_squeeze %dma_wait3A_181 : memref<1x128x128xf32, #tpu.memory_space<vmem_shared>> -> memref<128x128xf32, #tpu.memory_space<vmem_shared>>
    %dma_wait3A_183 = arith.constant 0 : i32
    %dma_wait3A_184 = arith.constant 0 : i32
    %dma_wait3A_185 = tpu.memref_slice %arg9[%arg1, %dma_wait3A_183, %dma_wait3A_184] : memref<16x128x128xf32, #tpu.memory_space<vmem_shared>> -> memref<1x128x128xf32, #tpu.memory_space<vmem_shared>>
    %dma_wait3A_186 = tpu.memref_squeeze %dma_wait3A_185 : memref<1x128x128xf32, #tpu.memory_space<vmem_shared>> -> memref<128x128xf32, #tpu.memory_space<vmem_shared>>
    tpu.wait_dma2 semaphore(%arg15 : memref<!tpu.dma_semaphore, #tpu.memory_space<semaphore_mem>>) src(%arg6 : memref<128x128xf32, #tpu.memory_space<vmem>>) dst(%dma_wait3A_186 : memref<128x128xf32, #tpu.memory_space<vmem_shared>>)
    %dma_start3A_187 = arith.constant 48 : i32
    %dma_start3A_188 = arith.constant 0 : i32
    %dma_start3A_189 = tpu.memref_slice %arg4[%dma_start3A_187, %mul3A_2, %dma_start3A_188] : memref<50x4096x128xf32, #tpu.memory_space<hbm>> -> memref<1x128x128xf32, #tpu.memory_space<hbm>>
    %dma_start3A_190 = tpu.memref_squeeze %dma_start3A_189 : memref<1x128x128xf32, #tpu.memory_space<hbm>> -> memref<128x128xf32, #tpu.memory_space<hbm>>
    %dma_start3A_191 = arith.constant 0 : i32
    %dma_start3A_192 = arith.constant 0 : i32
    %dma_start3A_193 = tpu.memref_slice %arg9[%arg1, %dma_start3A_191, %dma_start3A_192] : memref<16x128x128xf32, #tpu.memory_space<vmem_shared>> -> memref<1x128x128xf32, #tpu.memory_space<vmem_shared>>
    %dma_start3A_194 = tpu.memref_squeeze %dma_start3A_193 : memref<1x128x128xf32, #tpu.memory_space<vmem_shared>> -> memref<128x128xf32, #tpu.memory_space<vmem_shared>>
    tpu.enqueue_dma source(%dma_start3A_194 : memref<128x128xf32, #tpu.memory_space<vmem_shared>>) target(%dma_start3A_190 : memref<128x128xf32, #tpu.memory_space<hbm>>) target_semaphore(%arg18 : memref<!tpu.dma_semaphore, #tpu.memory_space<semaphore_mem>>)
    %dma_wait3A_195 = arith.constant 0 : i32
    %dma_wait3A_196 = arith.constant 0 : i32
    %dma_wait3A_197 = tpu.memref_slice %arg10[%arg1, %dma_wait3A_195, %dma_wait3A_196] : memref<16x128x128xf32, #tpu.memory_space<vmem_shared>> -> memref<1x128x128xf32, #tpu.memory_space<vmem_shared>>
    %dma_wait3A_198 = tpu.memref_squeeze %dma_wait3A_197 : memref<1x128x128xf32, #tpu.memory_space<vmem_shared>> -> memref<128x128xf32, #tpu.memory_space<vmem_shared>>
    %dma_wait3A_199 = arith.constant 0 : i32
    %dma_wait3A_200 = arith.constant 0 : i32
    %dma_wait3A_201 = tpu.memref_slice %arg10[%arg1, %dma_wait3A_199, %dma_wait3A_200] : memref<16x128x128xf32, #tpu.memory_space<vmem_shared>> -> memref<1x128x128xf32, #tpu.memory_space<vmem_shared>>
    %dma_wait3A_202 = tpu.memref_squeeze %dma_wait3A_201 : memref<1x128x128xf32, #tpu.memory_space<vmem_shared>> -> memref<128x128xf32, #tpu.memory_space<vmem_shared>>
    tpu.wait_dma2 semaphore(%arg16 : memref<!tpu.dma_semaphore, #tpu.memory_space<semaphore_mem>>) src(%arg7 : memref<128x128xf32, #tpu.memory_space<vmem>>) dst(%dma_wait3A_202 : memref<128x128xf32, #tpu.memory_space<vmem_shared>>)
    %dma_start3A_203 = arith.constant 49 : i32
    %dma_start3A_204 = arith.constant 0 : i32
    %dma_start3A_205 = tpu.memref_slice %arg4[%dma_start3A_203, %mul3A_2, %dma_start3A_204] : memref<50x4096x128xf32, #tpu.memory_space<hbm>> -> memref<1x128x128xf32, #tpu.memory_space<hbm>>
    %dma_start3A_206 = tpu.memref_squeeze %dma_start3A_205 : memref<1x128x128xf32, #tpu.memory_space<hbm>> -> memref<128x128xf32, #tpu.memory_space<hbm>>
    %dma_start3A_207 = arith.constant 0 : i32
    %dma_start3A_208 = arith.constant 0 : i32
    %dma_start3A_209 = tpu.memref_slice %arg10[%arg1, %dma_start3A_207, %dma_start3A_208] : memref<16x128x128xf32, #tpu.memory_space<vmem_shared>> -> memref<1x128x128xf32, #tpu.memory_space<vmem_shared>>
    %dma_start3A_210 = tpu.memref_squeeze %dma_start3A_209 : memref<1x128x128xf32, #tpu.memory_space<vmem_shared>> -> memref<128x128xf32, #tpu.memory_space<vmem_shared>>
    tpu.enqueue_dma source(%dma_start3A_210 : memref<128x128xf32, #tpu.memory_space<vmem_shared>>) target(%dma_start3A_206 : memref<128x128xf32, #tpu.memory_space<hbm>>) target_semaphore(%arg19 : memref<!tpu.dma_semaphore, #tpu.memory_space<semaphore_mem>>)
    %dma_wait3A_211 = arith.constant 47 : i32
    %dma_wait3A_212 = arith.constant 0 : i32
    %dma_wait3A_213 = tpu.memref_slice %arg4[%dma_wait3A_211, %mul3A_2, %dma_wait3A_212] : memref<50x4096x128xf32, #tpu.memory_space<hbm>> -> memref<1x128x128xf32, #tpu.memory_space<hbm>>
    %dma_wait3A_214 = tpu.memref_squeeze %dma_wait3A_213 : memref<1x128x128xf32, #tpu.memory_space<hbm>> -> memref<128x128xf32, #tpu.memory_space<hbm>>
    %dma_wait3A_215 = arith.constant 0 : i32
    %dma_wait3A_216 = arith.constant 0 : i32
    %dma_wait3A_217 = tpu.memref_slice %arg11[%arg1, %dma_wait3A_215, %dma_wait3A_216] : memref<16x128x128xf32, #tpu.memory_space<vmem_shared>> -> memref<1x128x128xf32, #tpu.memory_space<vmem_shared>>
    %dma_wait3A_218 = tpu.memref_squeeze %dma_wait3A_217 : memref<1x128x128xf32, #tpu.memory_space<vmem_shared>> -> memref<128x128xf32, #tpu.memory_space<vmem_shared>>
    tpu.wait_dma2 semaphore(%arg20 : memref<!tpu.dma_semaphore, #tpu.memory_space<semaphore_mem>>) src(%dma_wait3A_218 : memref<128x128xf32, #tpu.memory_space<vmem_shared>>) dst(%dma_wait3A_214 : memref<128x128xf32, #tpu.memory_space<hbm>>)
    %dma_wait3A_219 = arith.constant 48 : i32
    %dma_wait3A_220 = arith.constant 0 : i32
    %dma_wait3A_221 = tpu.memref_slice %arg4[%dma_wait3A_219, %mul3A_2, %dma_wait3A_220] : memref<50x4096x128xf32, #tpu.memory_space<hbm>> -> memref<1x128x128xf32, #tpu.memory_space<hbm>>
    %dma_wait3A_222 = tpu.memref_squeeze %dma_wait3A_221 : memref<1x128x128xf32, #tpu.memory_space<hbm>> -> memref<128x128xf32, #tpu.memory_space<hbm>>
    %dma_wait3A_223 = arith.constant 0 : i32
    %dma_wait3A_224 = arith.constant 0 : i32
    %dma_wait3A_225 = tpu.memref_slice %arg9[%arg1, %dma_wait3A_223, %dma_wait3A_224] : memref<16x128x128xf32, #tpu.memory_space<vmem_shared>> -> memref<1x128x128xf32, #tpu.memory_space<vmem_shared>>
    %dma_wait3A_226 = tpu.memref_squeeze %dma_wait3A_225 : memref<1x128x128xf32, #tpu.memory_space<vmem_shared>> -> memref<128x128xf32, #tpu.memory_space<vmem_shared>>
    tpu.wait_dma2 semaphore(%arg18 : memref<!tpu.dma_semaphore, #tpu.memory_space<semaphore_mem>>) src(%dma_wait3A_226 : memref<128x128xf32, #tpu.memory_space<vmem_shared>>) dst(%dma_wait3A_222 : memref<128x128xf32, #tpu.memory_space<hbm>>)
    %dma_wait3A_227 = arith.constant 49 : i32
    %dma_wait3A_228 = arith.constant 0 : i32
    %dma_wait3A_229 = tpu.memref_slice %arg4[%dma_wait3A_227, %mul3A_2, %dma_wait3A_228] : memref<50x4096x128xf32, #tpu.memory_space<hbm>> -> memref<1x128x128xf32, #tpu.memory_space<hbm>>
    %dma_wait3A_230 = tpu.memref_squeeze %dma_wait3A_229 : memref<1x128x128xf32, #tpu.memory_space<hbm>> -> memref<128x128xf32, #tpu.memory_space<hbm>>
    %dma_wait3A_231 = arith.constant 0 : i32
    %dma_wait3A_232 = arith.constant 0 : i32
    %dma_wait3A_233 = tpu.memref_slice %arg10[%arg1, %dma_wait3A_231, %dma_wait3A_232] : memref<16x128x128xf32, #tpu.memory_space<vmem_shared>> -> memref<1x128x128xf32, #tpu.memory_space<vmem_shared>>
    %dma_wait3A_234 = tpu.memref_squeeze %dma_wait3A_233 : memref<1x128x128xf32, #tpu.memory_space<vmem_shared>> -> memref<128x128xf32, #tpu.memory_space<vmem_shared>>
    tpu.wait_dma2 semaphore(%arg19 : memref<!tpu.dma_semaphore, #tpu.memory_space<semaphore_mem>>) src(%dma_wait3A_234 : memref<128x128xf32, #tpu.memory_space<vmem_shared>>) dst(%dma_wait3A_230 : memref<128x128xf32, #tpu.memory_space<hbm>>)
    return
  }
}

</mosaic_0001>

<sc_bundles>
// kernel: kernel.3.cloned.1.call-start
scs
__scs_entry_jumppad:
0x0: {  	(pc) =	sbr.rel $0x88, $3  }
0x1: {  	(tag) =	ssettag $0x0;
	lr =	simm.s32 $0x1  }
0x2: {  	[smem:$0x3F9F] =	sst lr;
	_ =	strace $0xD0000000  }
0x3: {  	_ = 	snop  }
0x4: {  	_ = 	snop  }
0x5: {  	_ = 	snop  }
0x6: {  	_ = 	snop  }
0x7: {  	_ = 	snop  }
__scs_overlays_trampoline_lowered:
0x8: {  	[smem:$0x3FAE] =	sst s0  }
0x9: {  	[smem:$0x3FAF] =	sst s1  }
0xa: {  	[smem:$0x3FB0] =	sst s2  }
0xb: {  	[smem:$0x3FB1] =	sst s3  }
0xc: {  	[smem:$0x3FB2] =	sst s4  }
0xd: {  	[smem:$0x3FB3] =	sst s5  }
0xe: {  	[smem:$0x3FB4] =	sst s6  }
0xf: {  	[smem:$0x3FB5] =	sst s7  }
0x10: {  	[smem:$0x3FB6] =	sst s8  }
0x11: {  	[smem:$0x3FB7] =	sst s9;
	s0 =	simm.s32 @!p0 $0x0  }
0x12: {  	s1 =	sld [smem:$0x3F9D];
	s0 =	simm.s32 @p0 $0x1  }
0x13: {  	[smem:$0x3FB8] =	sst s0;
	s0 =	simm.s32 @!p1 $0x0  }
0x14: {  	s2 =	sld [smem:$0x3F9C];
	s0 =	simm.s32 @p1 $0x1  }
0x15: {  	[smem:$0x3FB9] =	sst s0;
	s0 =	simm.s32 @!p2 $0x0  }
0x16: {  	s3 =	sld [smem:$0x3FDB];
	s0 =	simm.s32 @p2 $0x1  }
0x17: {  	s4 =	simm.s32 $0x1BF5;
	[smem:$0x3FBB] =	sst s0  }
0x18: {  	s0 =	sld [smem:$0x3F9E];
	_ =	swait.ge [sflag:s4], $0x0  }
0x19: {  	s7 =	sld [smem:$0x3F9F]  }
0x1a: {  	s8 =	sadd.s32 $0xFFFFE003, lr  }
0x1b: {  	s9 =	sadd.s32 $0xFFFFFEF7, lr;
	s5 =	simm.s32 $0xFFFFFFFF;
	p2 =	slt.u32 s8, $0xFFFFF086  }
0x1c: {  	p1 =	slt.u32 s9, $0xF7A;
	s5 =	simm.s32 @!p2 $0x0  }
0x1d: {  	s5 =	simm.s32 @p1 $0x1;
	p0 =	seq.s32 s7, s2  }
0x1e: {  	s7 =	smul.u32 @!p0 $0xF7A, s2;
	p2 =	seq.s32 @!p0 s5, $0x0  }
0x1f: {  	s9 =	smul.u32 $0xF7A, s1;
	s8 =	simm.s32 @!p0 $0x1BF5;
	p2 =	por !p2, p0  }
0x20: {  	[sflag:s8] =	ssyncset.s32 @!p0 $0xFFFFF086;
	s6 =	sadd.s32 @!p0 s3, s7;
	s7 =	simm.s32 @!p0 $0x108  }
0x21: {  	s3 =	sadd.s32 s3, s9;
	s6 =	sadd.s32 @!p0 $0x88, s6;
	s7 =	simm.s32 @p2 $0x1082  }
0x22: {  	[simem:s7], [sflag:s8] =	dma.local @!p0 [hbm:s6], $0xF7A  }
0x23: {  	s9 =	sor.u32 $0xD0000000, s2;
	s6 =	simm.s32 $0x108;
	_ =	swait.ge @!p0 [sflag:s8], $0x0  }
0x24: {  	s3 =	sadd.s32 $0x88, s3;
	s6 =	simm.s32 @!p1 $0x1082;
	[sflag:s4] =	ssyncset.s32 $0xFFFFF086  }
0x25: {  	[simem:s6], [sflag:s4] =	dma.local [hbm:s3], $0xF7A  }
0x26: {  	[smem:$0x3F9F] =	sst s1;
	(tag) =	ssettag s2;
	_ =	strace s9  }
0x27: {  	s1 =	sld [smem:$0x3FAF]  }
0x28: {  	s2 =	sld [smem:$0x3FB0]  }
0x29: {  	s4 =	sld [smem:$0x3FB2]  }
0x2a: {  	p0 =	seq.s32 s5, $0x0;
	s5 =	sld [smem:$0x3FB3]  }
0x2b: {  	s6 =	sld [smem:$0x3FB4]  }
0x2c: {  	s7 =	sld [smem:$0x3FB5]  }
0x2d: {  	s3 =	simm.s32 $0x108;
	s8 =	sld [smem:$0x3FB6]  }
0x2e: {  	s3 =	simm.s32 @!p0 $0x1082;
	s9 =	sld [smem:$0x3FB7]  }
0x2f: {  	lr =	sadd.s32 s0, s3;
	s0 =	sld [smem:$0x3FAE]  }
0x30: {  	s3 =	sld [smem:$0x3FB1]  }
0x31: {  	[smem:$0x3FBA] =	sst s10  }
0x32: {  	s10 =	sld [smem:$0x3FB8];
	_ =	sdelay $0x3  }
0x33: {  	p0 =	seq.s32 s10, $0x1;
	s10 =	sld [smem:$0x3FBA];
	_ =	sdelay $0x3  }
0x34: {  	[smem:$0x3FBA] =	sst s10  }
0x35: {  	s10 =	sld [smem:$0x3FB9];
	_ =	sdelay $0x3  }
0x36: {  	p1 =	seq.s32 s10, $0x1;
	s10 =	sld [smem:$0x3FBA];
	_ =	sdelay $0x3  }
0x37: {  	[smem:$0x3FBA] =	sst s10  }
0x38: {  	s10 =	sld [smem:$0x3FBB]  }
0x39: {  	_ = 	snop;
	(pc) =	sbr.ind lr, $3  }
0x3a: {  	_ = 	snop  }
0x3b: {  	_ = 	snop  }
0x3c: {  	p2 =	seq.s32 s10, $0x1;
	s10 =	sld [smem:$0x3FBA]  }
0x3d: {  	_ =	shalt  }
0x3e: {  	_ =	shalt  }
0x3f: {  	_ =	shalt  }
0x40: {  	_ =	shalt  }
0x41: {  	_ =	shalt  }
0x42: {  	_ =	shalt  }
0x43: {  	_ =	shalt  }
0x44: {  	_ =	shalt  }
0x45: {  	_ =	shalt  }
0x46: {  	_ =	shalt  }
0x47: {  	_ =	shalt  }
0x48: {  	_ =	shalt  }
0x49: {  	_ =	shalt  }
0x4a: {  	_ =	shalt  }
0x4b: {  	_ =	shalt  }
0x4c: {  	_ =	shalt  }
0x4d: {  	_ =	shalt  }
0x4e: {  	_ =	shalt  }
0x4f: {  	_ =	shalt  }
0x50: {  	_ =	shalt  }
0x51: {  	_ =	shalt  }
0x52: {  	_ =	shalt  }
0x53: {  	_ =	shalt  }
0x54: {  	_ =	shalt  }
0x55: {  	_ =	shalt  }
0x56: {  	_ =	shalt  }
0x57: {  	_ =	shalt  }
0x58: {  	_ =	shalt  }
0x59: {  	_ =	shalt  }
0x5a: {  	_ =	shalt  }
0x5b: {  	_ =	shalt  }
0x5c: {  	_ =	shalt  }
0x5d: {  	_ =	shalt  }
0x5e: {  	_ =	shalt  }
0x5f: {  	_ =	shalt  }
0x60: {  	_ =	shalt  }
0x61: {  	_ =	shalt  }
0x62: {  	_ =	shalt  }
0x63: {  	_ =	shalt  }
0x64: {  	_ =	shalt  }
0x65: {  	_ =	shalt  }
0x66: {  	_ =	shalt  }
0x67: {  	_ =	shalt  }
0x68: {  	_ =	shalt  }
0x69: {  	_ =	shalt  }
0x6a: {  	_ =	shalt  }
0x6b: {  	_ =	shalt  }
0x6c: {  	_ =	shalt  }
0x6d: {  	_ =	shalt  }
0x6e: {  	_ =	shalt  }
0x6f: {  	_ =	shalt  }
0x70: {  	_ =	shalt  }
0x71: {  	_ =	shalt  }
0x72: {  	_ =	shalt  }
0x73: {  	_ =	shalt  }
0x74: {  	_ =	shalt  }
0x75: {  	_ =	shalt  }
0x76: {  	_ =	shalt  }
0x77: {  	_ =	shalt  }
0x78: {  	_ =	shalt  }
0x79: {  	_ =	shalt  }
0x7a: {  	_ =	shalt  }
0x7b: {  	_ =	shalt  }
0x7c: {  	_ =	shalt  }
0x7d: {  	_ =	shalt  }
0x7e: {  	_ =	shalt  }
0x7f: {  	_ =	shalt  }
0x80: {  	_ =	shalt  }
0x81: {  	_ =	shalt  }
0x82: {  	_ =	shalt  }
0x83: {  	_ =	shalt  }
0x84: {  	_ =	shalt  }
0x85: {  	_ =	shalt  }
0x86: {  	_ =	shalt  }
0x87: {  	_ =	shalt  }
.Lfunc_end0:
.L_simem_size_0:
called_computation_lowered:
.L_overlay_start_0:
0x88: {  	s2 =	sld [smem:$0x3FD9]  }
0x89: {  	s3 =	sld [smem:$0x3FFE];
	_ =	sdelay $0x1  }
0x8a: {  	s1 =	srdreg.scid  }
0x8b: {  	s0 =	sand.u32 $0x1, s1  }
0x8c: {  	s17 =	sshll.u32 s0, $0xA;
	s2 =	sadd.s32 s3, s2  }
0x8d: {  	s2 =	sadd.s32 s2, s17  }
0x8e: {  	[smem:$0x3FC6] =	sst s2  }
0x8f: {  	_ = 	snop  }
0x90: {  	s2 =	sld [smem:$0x3FC8]  }
0x91: {  	s18 =	sld [smem:$0x3FD0];
	(tm) =	ssettm $0x1  }
0x92: {  	s4 =	sld [smem:$0x3FFB];
	_ =	sdelay $0x3  }
0x93: {  	_ =	strace s4  }
0x94: {  	s4 =	sld [smem:$0x3FFC];
	_ =	sdelay $0x3  }
0x95: {  	_ =	strace s4  }
0x96: {  	s4 =	sld [smem:$0x3FFD];
	_ =	sdelay $0x3  }
0x97: {  	_ =	strace s4  }
0x98: {  	_ =	strace $0x8FFFFFFF  }
0x99: {  	s19 =	sld [smem:$0x3FDB];
	_ =	sdelay $0x1  }
0x9a: {  	s5 =	simm.s32 $_scs_section_size  }
0x9b: {  	s6 =	simm.s32 $_size__tile_overlayer_lowered;
	s7 =	simm.s32 $_tile_overlayer_lowered  }
0x9c: {  	s22 =	simm.s32 $0x1BFF;
	s21 =	sshll.u32 s7, $0x1;
	s4 =	sadd.s32 s5, s19  }
0x9d: {  	s8 =	simm.s32 $0x0;
	s20 =	sshll.u32 s6, $0x1;
	s6 =	sadd.s32 s21, s4  }
0x9e: {  	[timem:s8], [sflag:s22] =	dma.local [hbm:s6], s20  }
0x9f: {  	_ =	swait.ge [sflag:s22], s20  }
0xa0: {  	s5 =	ssub.s32 $0x0, s20;
	[sflag:s22] =	ssyncset.done $0x0  }
0xa1: {  	[sflag:s22] =	ssyncadd.s32 s5;
	_ =	sdelay $0x1  }
0xa2: {  	s23 =	simm.s32 $0x1B8B  }
0xa3: {  	_ =	swait.ge [sflag:s23], $0x1  }
0xa4: {  	[sflag:s23] =	ssyncset.done $0x0  }
0xa5: {  	s25 =	simm.s32 $0x1B8E;
	s24 =	sld [smem:$0x3FFE];
	[sflag:s23] =	ssyncadd.s32 $0xFFFFFFFF  }
0xa6: {  	s26 =	simm.s32 $execute0_lowered;
	[smem:$0x3FD2] =	sst s25  }
0xa7: {  	s6 =	sshll.u32 s26, $0x1;
	_ =	strace $0x80000046;
	[dreg:$0x1] =	wrdreg $0xFFFFFFFF  }
0xa8: {  	s28 =	simm.s32 $_size_execute0_lowered;
	s4 =	sadd.s32 s4, s6;
	[dreg:$0x0] =	wrdreg $0x0  }
0xa9: {  	s6 =	sshll.u32 s28, $0x1;
	[dreg:$0x2] =	wrdreg s4  }
0xaa: {  	[dreg:$0x3] =	wrdreg s6  }
0xab: {  	[dreg:$0x4] =	wrdreg $0xC0  }
0xac: {  	_ =	task [dreg:s8], $0x5FFFF  }
0xad: {  	[dreg:$0x1] =	wrdreg $0xFFFFFFFF  }
0xae: {  	[dreg:$0x0] =	wrdreg $0x60  }
0xaf: {  	[dreg:$0x2] =	wrdreg s24  }
0xb0: {  	[dreg:$0x3] =	wrdreg s2  }
0xb1: {  	[dreg:$0x4] =	wrdreg s18  }
0xb2: {  	[dreg:$0x5] =	wrdreg $0xDC000  }
0xb3: {  	[dreg:$0x6] =	wrdreg $0x11C000  }
0xb4: {  	[dreg:$0x7] =	wrdreg $0x15C000  }
0xb5: {  	[dreg:$0x8] =	wrdreg $0x9  }
0xb6: {  	_ =	task.clear_ibuf [dreg:s8], $0x9FFFF;
	_ =	strace $0x90000046  }
0xb7: {  	s29 =	simm.s32 $0x9;
	_ =	strace $0x80000048  }
0xb8: {  	_ =	swait.ge [sflag:s29], $0x1  }
0xb9: {  	[sflag:s29] =	ssyncadd.s32 $0xFFFFFFFF  }
0xba: {  	_ =	strace $0x90000048  }
0xbb: {  	_ =	sfence  }
0xbc: {  	s30 =	sld [smem:$0x0];
	_ =	sdelay $0x2  }
0xbd: {  	s31 =	sshll.u32 s1, $0xD;
	s1 =	sshrl.u32 s1, $0x2  }
0xbe: {  	s3 =	sand.u32 $0x4000, s31;
	s1 =	sadd.s32 s1, s30  }
0xbf: {  	s0 =	sor.u32 s3, s0;
	s1 =	sshll.u32 s1, $0x11  }
0xc0: {  	s0 =	sor.u32 s1, s0  }
0xc1: {  	s0 =	sadd.s32 $0x8F2B, s0  }
0xc2: {  	[sflag:s0] =	ssyncadd.remote.s32 $0x1  }
0xc3: {  	_ =	sfence.sel $0xFFFF  }
0xc4: {  	[dreg:$0x0] =	wrdreg $0xFFFFFFFF;
	(pc) =	sbr.abs _section_cstart, $3  }
0xc5: {  	[dreg:$0x1] =	wrdreg $0xFFFFFFFF  }
0xc6: {  	_ =	task.clear_ibuf [dreg:s8], $0x2FFFF;
	_ =	strace $0x9FFFFFFF  }
0xc7: {  	(tm) =	ssettm $0x7FFFFFFF  }
tec
execute0_lowered:
.L_overlay_start_1:
0x0: {  	(tag) =	ssettag $0x1  }
0x1: {  	s1 =	rddreg [dreg:$0x0]  }
0x2: {  	s0 =	rddreg [dreg:$0x1]  }
0x3: {  	s14 =	rddreg [dreg:$0x2]  }
0x4: {  	s3 =	rddreg [dreg:$0x3]  }
0x5: {  	s4 =	rddreg [dreg:$0x4];
	s5 =	srdreg.scid  }
0x6: {  	s2 =	stileid.u32;
	s8 =	rddreg [dreg:$0x5];
	s7 =	simm.s32 $0x0  }
0x7: {  	s28 =	simm.s32 $0x4;
	s30 =	simm.s32 $0x3;
	s31 =	simm.s32 $0x5  }
0x8: {  	s29 =	simm.s32 $0x9;
	s5 =	sand.u32 $0x1, s5;
	s6 =	sshll.u32 s2, $0x1  }
0x9: {  	[smem:$0x7FF] =	sst s7;
	s12 =	sshll.u32 s2, $0xE;
	s16 =	sshll.u32 s2, $0xF  }
0xa: {  	s9 =	sor.u32 s5, s6;
	s10 =	ssub.s32 $0x2, s5;
	_ =	strace $0x80000047  }
0xb: {  	s3 =	sadd.s32 s12, s3;
	s7 =	sadd.s32 s12, s4;
	s17 =	sshll.u32 s5, $0xE  }
0xc: {  	s6 =	sshll.u32 s9, $0x4;
	s11 =	sshrl.u32 s10, $0x1;
	s13 =	sshll.u32 s9, $0xB  }
0xd: {  	[dreg:$0x7] =	wrdreg s3;
	s1 =	sadd.s32 s6, s1;
	s15 =	sadd.s32 s14, s13  }
0xe: {  	s9 =	sadd.s32 s12, s8;
	s1 =	sadd.s32 $0x400, s1;
	[dreg:$0x9] =	wrdreg s15  }
0xf: {  	s19 =	sor.u32 s17, s16;
	s18 =	sadd.s32 $0x10000, s15;
	[dreg:$0x8] =	wrdreg s1  }
0x10: {  	s10 =	ssub.s32 s10, s11;
	s20 =	sadd.s32 $0x2F0000, s15;
	[dreg:$0xa] =	wrdreg s18  }
0x11: {  	s3 =	sor.u32 $0x200000, s19;
	s21 =	sadd.s32 $0x300000, s15;
	[dreg:$0xb] =	wrdreg s20  }
0x12: {  	s4 =	sor.u32 $0x100000, s19;
	s22 =	sadd.s32 $0x310000, s15;
	[dreg:$0xc] =	wrdreg s21  }
0x13: {  	s3 =	sshrl.u32 s3, $0x3;
	s23 =	smax.u32 s10, $0x1;
	[dreg:$0xd] =	wrdreg s22  }
0x14: {  	s25 =	sshrl.u32 s4, $0x3;
	[dreg:$0xe] =	wrdreg s23;
	s24 =	sadd.s32 s3, s14  }
0x15: {  	s1 =	sor.u32 $0x180000, s19;
	s26 =	sadd.s32 s25, s14;
	s18 =	simm.s32 $0x80  }
0x16: {  	s21 =	simm.s32 $0x1C00;
	s22 =	simm.s32 $0x5C00;
	[dreg:$0xf] =	wrdreg s24  }
0x17: {  	s23 =	simm.s32 $0x1;
	s25 =	simm.s32 $0x9C00;
	[dreg:$0x10] =	wrdreg s1  }
0x18: {  	s19 =	simm.s32 $0x6;
	s3 =	simm.s32 $0x0;
	[dreg:$0x11] =	wrdreg s26  }
0x19: {  	s26 =	simm.s32 $0x2;
	s1 =	simm.s32 $0x7;
	s24 =	simm.s32 $0x8  }
.LBB2_1:
0x1a: {  	[dreg:$0x12] =	wrdreg s3;
	s2 =	simm.s32 $0x0  }
0x1b: {  	s20 =	rddreg [dreg:$0x8];
	s4 =	simm.s32 $0x1000;
	s5 =	simm.s32 $0xA  }
0x1c: {  	[tilespmem:s2], [sflag:$0xA] =	stream.strided.gather [hbm4b:s20+s18], $0x1900, s4, s18, $0x38;
	[tilespmem:$0x19C00] =	vst v63  }
0x1d: {  	_ =	swait.ge [sflag:s5], $0x1900  }
0x1e: {  	[sflag:s5] =	ssyncset.done $0x0  }
0x1f: {  	[sflag:s5] =	ssyncadd.s32 $0xFFFFE700  }
0x20: {  	[tilespmem:s21], [sflag:$0x1] =	stream.indirect.gather [hbm4b:s0+s18], $0x80, s2, s18, $0xb8;
	[tilespmem:$0x19C00] =	vst v63  }
0x21: {  	_ = 	snop  }
0x22: {  	[tilespmem:s22], [sflag:$0x2] =	stream.indirect.gather [hbm4b:s0+s18], $0x80, s18, s18, $0xb8;
	[tilespmem:$0x19C00] =	vst v63  }
0x23: {  	_ =	swait.ge [sflag:s23], $0x4000  }
0x24: {  	[sflag:s23] =	ssyncset.done $0x0  }
0x25: {  	s6 =	rddreg [dreg:$0x7];
	[sflag:s23] =	ssyncadd.s32 $0xFFFFC000  }
0x26: {  	[spmem:s6] =	stream.linear.scatter [tilespmem:s21], [sflag:$0x4], $0x4000, $0x38;
	[tilespmem:$0x19C00] =	vst v63  }
0x27: {  	s8 =	simm.s32 $0x100  }
0x28: {  	[tilespmem:s25], [sflag:$0x3] =	stream.indirect.gather [hbm4b:s0+s18], $0x80, s8, s18, $0xb8;
	[tilespmem:$0x19C00] =	vst v63  }
0x29: {  	_ =	swait.ge [sflag:s26], $0x4000  }
0x2a: {  	[sflag:s26] =	ssyncset.done $0x0  }
0x2b: {  	[sflag:s26] =	ssyncadd.s32 $0xFFFFC000  }
0x2c: {  	[spmem:s7] =	stream.linear.scatter [tilespmem:s22], [sflag:$0x5], $0x4000, $0x38;
	[tilespmem:$0x19C00] =	vst v63  }
0x2d: {  	s10 =	stileid.u32;
	s12 =	simm.s32 $0x180;
	_ =	swait.ge [sflag:s28], $0x4000  }
0x2e: {  	s5 =	sshrl.u32 s6, $0x3;
	s8 =	sshll.u32 s10, $0x6;
	[sflag:s28] =	ssyncset.done $0x0  }
0x2f: {  	s4 =	sor.u32 $0x1C07, s8;
	s11 =	rddreg [dreg:$0x9];
	[sflag:s28] =	ssyncadd.s32 $0xFFFFC000  }
0x30: {  	[hbm:s11], [sflag:s4] =	dma.local [spmem:s5], $0x800  }
0x31: {  	[tilespmem:s21], [sflag:$0x1] =	stream.indirect.gather [hbm4b:s0+s18], $0x80, s12, s18, $0xb8;
	[tilespmem:$0x19C00] =	vst v63  }
0x32: {  	_ =	swait.ge [sflag:s30], $0x4000  }
0x33: {  	[sflag:s30] =	ssyncset.done $0x0  }
0x34: {  	[sflag:s30] =	ssyncadd.s32 $0xFFFFC000  }
0x35: {  	[spmem:s9] =	stream.linear.scatter [tilespmem:s25], [sflag:$0x6], $0x4000, $0x38;
	[tilespmem:$0x19C00] =	vst v63  }
0x36: {  	_ =	swait.ge [sflag:s31], $0x4000  }
0x37: {  	s15 =	simm.s32 $0x200;
	s10 =	sor.u32 $0x1C08, s8;
	[sflag:s31] =	ssyncset.done $0x0  }
0x38: {  	s11 =	sshrl.u32 s7, $0x3;
	s13 =	rddreg [dreg:$0xa];
	[sflag:s31] =	ssyncadd.s32 $0xFFFFC000  }
0x39: {  	[hbm:s13], [sflag:s10] =	dma.local [spmem:s11], $0x800  }
0x3a: {  	[tilespmem:s22], [sflag:$0x2] =	stream.indirect.gather [hbm4b:s0+s18], $0x80, s15, s18, $0xb8;
	[tilespmem:$0x19C00] =	vst v63  }
0x3b: {  	_ =	swait.ge [sflag:s1], $0x800  }
0x3c: {  	[sflag:s1] =	ssyncset.done $0x0  }
0x3d: {  	[sflag:s1] =	ssyncadd.s32 $0xFFFFF800  }
0x3e: {  	_ =	swait.ge [sflag:s23], $0x4000  }
0x3f: {  	[sflag:s23] =	ssyncset.done $0x0  }
0x40: {  	[sflag:s23] =	ssyncadd.s32 $0xFFFFC000  }
0x41: {  	[spmem:s6] =	stream.linear.scatter [tilespmem:s21], [sflag:$0x4], $0x4000, $0x38;
	[tilespmem:$0x19C00] =	vst v63  }
0x42: {  	_ =	swait.ge [sflag:s19], $0x4000  }
0x43: {  	s16 =	simm.s32 $0x280;
	s12 =	sshrl.u32 s9, $0x3;
	[sflag:s19] =	ssyncset.done $0x0  }
0x44: {  	s13 =	sor.u32 $0x1C09, s8;
	s15 =	rddreg [dreg:$0x11];
	[sflag:s19] =	ssyncadd.s32 $0xFFFFC000  }
0x45: {  	[hbm:s15], [sflag:s13] =	dma.local [spmem:s12], $0x800  }
0x46: {  	[tilespmem:s25], [sflag:$0x3] =	stream.indirect.gather [hbm4b:s0+s18], $0x80, s16, s18, $0xb8;
	[tilespmem:$0x19C00] =	vst v63  }
0x47: {  	_ =	swait.ge [sflag:s24], $0x800  }
0x48: {  	[sflag:s24] =	ssyncset.done $0x0  }
0x49: {  	[sflag:s24] =	ssyncadd.s32 $0xFFFFF800  }
0x4a: {  	_ =	swait.ge [sflag:s26], $0x4000  }
0x4b: {  	[sflag:s26] =	ssyncset.done $0x0  }
0x4c: {  	[sflag:s26] =	ssyncadd.s32 $0xFFFFC000  }
0x4d: {  	[spmem:s7] =	stream.linear.scatter [tilespmem:s22], [sflag:$0x5], $0x4000, $0x38;
	[tilespmem:$0x19C00] =	vst v63  }
0x4e: {  	_ =	swait.ge [sflag:s28], $0x4000  }
0x4f: {  	s17 =	rddreg [dreg:$0x10]  }
0x50: {  	[sflag:s28] =	ssyncset.done $0x0;
	s20 =	sshrl.u32 s17, $0x3  }
0x51: {  	s2 =	simm.s32 $0x300;
	[sflag:s28] =	ssyncadd.s32 $0xFFFFC000;
	s8 =	sadd.s32 s14, s20  }
0x52: {  	[hbm:s8], [sflag:s4] =	dma.local [spmem:s5], $0x800  }
0x53: {  	[tilespmem:s21], [sflag:$0x1] =	stream.indirect.gather [hbm4b:s0+s18], $0x80, s2, s18, $0xb8;
	[tilespmem:$0x19C00] =	vst v63  }
0x54: {  	_ =	swait.ge [sflag:s29], $0x800  }
0x55: {  	[sflag:s29] =	ssyncset.done $0x0  }
0x56: {  	[sflag:s29] =	ssyncadd.s32 $0xFFFFF800  }
0x57: {  	_ =	swait.ge [sflag:s30], $0x4000  }
0x58: {  	[sflag:s30] =	ssyncset.done $0x0  }
0x59: {  	s6 =	smov.u32 s14;
	[sflag:s30] =	ssyncadd.s32 $0xFFFFC000  }
0x5a: {  	[spmem:s9] =	stream.linear.scatter [tilespmem:s25], [sflag:$0x6], $0x4000, $0x38;
	[tilespmem:$0x19C00] =	vst v63  }
0x5b: {  	s14 =	simm.s32 $0x600;
	s20 =	sadd.s32 $0x30000, s15;
	_ =	swait.ge [sflag:s31], $0x4000  }
0x5c: {  	s8 =	sadd.s32 $0x180000, s17;
	[sflag:s31] =	ssyncset.done $0x0;
	s16 =	rddreg [dreg:$0xf]  }
0x5d: {  	s17 =	simm.s32 $0x380;
	[sflag:s31] =	ssyncadd.s32 $0xFFFFC000;
	s15 =	sadd.s32 $0x30000, s16  }
0x5e: {  	[hbm:s16], [sflag:s10] =	dma.local [spmem:s11], $0x800  }
.LBB2_2:
0x5f: {  	[tilespmem:s22], [sflag:$0x2] =	stream.indirect.gather [hbm4b:s0+s18], $0x80, s17, s18, $0xb8;
	[tilespmem:$0x19C00] =	vst v63  }
0x60: {  	_ =	swait.ge [sflag:s1], $0x800  }
0x61: {  	[sflag:s1] =	ssyncset.done $0x0  }
0x62: {  	[sflag:s1] =	ssyncadd.s32 $0xFFFFF800  }
0x63: {  	_ =	swait.ge [sflag:s23], $0x4000  }
0x64: {  	[sflag:s23] =	ssyncset.done $0x0  }
0x65: {  	s2 =	rddreg [dreg:$0x7];
	[sflag:s23] =	ssyncadd.s32 $0xFFFFC000  }
0x66: {  	[spmem:s2] =	stream.linear.scatter [tilespmem:s21], [sflag:$0x4], $0x4000, $0x38;
	[tilespmem:$0x19C00] =	vst v63  }
0x67: {  	s3 =	smov.u32 s14;
	_ =	swait.ge [sflag:s19], $0x4000  }
0x68: {  	s17 =	sshra.s32 s3, $0x2;
	[sflag:s19] =	ssyncset.done $0x0  }
0x69: {  	s3 =	sadd.s32 $0x280, s17;
	[sflag:s19] =	ssyncadd.s32 $0xFFFFC000  }
0x6a: {  	[hbm:s20], [sflag:s13] =	dma.local [spmem:s12], $0x800  }
0x6b: {  	[tilespmem:s25], [sflag:$0x3] =	stream.indirect.gather [hbm4b:s0+s18], $0x80, s3, s18, $0xb8;
	[tilespmem:$0x19C00] =	vst v63  }
0x6c: {  	_ =	swait.ge [sflag:s24], $0x800  }
0x6d: {  	[sflag:s24] =	ssyncset.done $0x0  }
0x6e: {  	[sflag:s24] =	ssyncadd.s32 $0xFFFFF800  }
0x6f: {  	_ =	swait.ge [sflag:s26], $0x4000  }
0x70: {  	[sflag:s26] =	ssyncset.done $0x0  }
0x71: {  	[sflag:s26] =	ssyncadd.s32 $0xFFFFC000  }
0x72: {  	[spmem:s7] =	stream.linear.scatter [tilespmem:s22], [sflag:$0x5], $0x4000, $0x38;
	[tilespmem:$0x19C00] =	vst v63  }
0x73: {  	_ =	swait.ge [sflag:s28], $0x4000  }
0x74: {  	s2 =	sshrl.u32 s8, $0x3;
	[sflag:s28] =	ssyncset.done $0x0  }
0x75: {  	s3 =	sadd.s32 s6, s2;
	s2 =	sadd.s32 $0x300, s17;
	[sflag:s28] =	ssyncadd.s32 $0xFFFFC000  }
0x76: {  	[hbm:s3], [sflag:s4] =	dma.local [spmem:s5], $0x800  }
0x77: {  	[tilespmem:s21], [sflag:$0x1] =	stream.indirect.gather [hbm4b:s0+s18], $0x80, s2, s18, $0xb8;
	[tilespmem:$0x19C00] =	vst v63  }
0x78: {  	_ =	swait.ge [sflag:s29], $0x800  }
0x79: {  	[sflag:s29] =	ssyncset.done $0x0  }
0x7a: {  	[sflag:s29] =	ssyncadd.s32 $0xFFFFF800  }
0x7b: {  	_ =	swait.ge [sflag:s30], $0x4000  }
0x7c: {  	[sflag:s30] =	ssyncset.done $0x0  }
0x7d: {  	p0 =	sne.s32 s14, $0x5400;
	[sflag:s30] =	ssyncadd.s32 $0xFFFFC000  }
0x7e: {  	[spmem:s9] =	stream.linear.scatter [tilespmem:s25], [sflag:$0x6], $0x4000, $0x38;
	[tilespmem:$0x19C00] =	vst v63  }
.Ltmp0:
0x7f: {  	_ = 	snop;
	(pc) =	sbr.rel @p0 .LBB2_2-.Ltmp0, $4  }
0x80: {  	s14 =	sadd.s32 $0x600, s14;
	s16 =	smov.u32 s15;
	_ =	swait.ge [sflag:s31], $0x4000  }
0x81: {  	s15 =	sadd.s32 $0x30000, s15;
	s8 =	sadd.s32 $0x180000, s8;
	[sflag:s31] =	ssyncset.done $0x0  }
0x82: {  	s20 =	sadd.s32 $0x30000, s20;
	s17 =	sadd.s32 $0x380, s17;
	[sflag:s31] =	ssyncadd.s32 $0xFFFFC000  }
0x83: {  	[hbm:s16], [sflag:s10] =	dma.local [spmem:s11], $0x800  }
0x84: {  	[tilespmem:s22], [sflag:$0x2] =	stream.indirect.gather [hbm4b:s0+s18], $0x80, s17, s18, $0xb8;
	[tilespmem:$0x19C00] =	vst v63  }
0x85: {  	_ =	swait.ge [sflag:s1], $0x800  }
0x86: {  	[sflag:s1] =	ssyncset.done $0x0  }
0x87: {  	[sflag:s1] =	ssyncadd.s32 $0xFFFFF800  }
0x88: {  	_ =	swait.ge [sflag:s23], $0x4000  }
0x89: {  	[sflag:s23] =	ssyncset.done $0x0  }
0x8a: {  	s2 =	rddreg [dreg:$0x7];
	[sflag:s23] =	ssyncadd.s32 $0xFFFFC000  }
0x8b: {  	[spmem:s2] =	stream.linear.scatter [tilespmem:s21], [sflag:$0x4], $0x4000, $0x38;
	[tilespmem:$0x19C00] =	vst v63  }
0x8c: {  	_ =	swait.ge [sflag:s19], $0x4000  }
0x8d: {  	[sflag:s19] =	ssyncset.done $0x0  }
0x8e: {  	s15 =	rddreg [dreg:$0xb];
	[sflag:s19] =	ssyncadd.s32 $0xFFFFC000  }
0x8f: {  	[hbm:s15], [sflag:s13] =	dma.local [spmem:s12], $0x800  }
0x90: {  	_ =	swait.ge [sflag:s24], $0x800  }
0x91: {  	[sflag:s24] =	ssyncset.done $0x0  }
0x92: {  	[sflag:s24] =	ssyncadd.s32 $0xFFFFF800  }
0x93: {  	_ =	swait.ge [sflag:s26], $0x4000  }
0x94: {  	[sflag:s26] =	ssyncset.done $0x0  }
0x95: {  	[sflag:s26] =	ssyncadd.s32 $0xFFFFC000  }
0x96: {  	[spmem:s7] =	stream.linear.scatter [tilespmem:s22], [sflag:$0x5], $0x4000, $0x38;
	[tilespmem:$0x19C00] =	vst v63  }
0x97: {  	_ =	swait.ge [sflag:s28], $0x4000  }
0x98: {  	[sflag:s28] =	ssyncset.done $0x0  }
0x99: {  	s16 =	rddreg [dreg:$0xc];
	[sflag:s28] =	ssyncadd.s32 $0xFFFFC000  }
0x9a: {  	[hbm:s16], [sflag:s4] =	dma.local [spmem:s5], $0x800  }
0x9b: {  	_ =	swait.ge [sflag:s31], $0x4000  }
0x9c: {  	[sflag:s31] =	ssyncset.done $0x0  }
0x9d: {  	s17 =	rddreg [dreg:$0xd];
	[sflag:s31] =	ssyncadd.s32 $0xFFFFC000  }
0x9e: {  	[hbm:s17], [sflag:s10] =	dma.local [spmem:s11], $0x800  }
0x9f: {  	_ =	swait.ge [sflag:s29], $0x800  }
0xa0: {  	[sflag:s29] =	ssyncset.done $0x0  }
0xa1: {  	[sflag:s29] =	ssyncadd.s32 $0xFFFFF800  }
0xa2: {  	_ =	swait.ge [sflag:s1], $0x800  }
0xa3: {  	[sflag:s1] =	ssyncset.done $0x0  }
0xa4: {  	[sflag:s1] =	ssyncadd.s32 $0xFFFFF800  }
0xa5: {  	_ =	swait.ge [sflag:s24], $0x800  }
0xa6: {  	s3 =	rddreg [dreg:$0x12]  }
0xa7: {  	s20 =	rddreg [dreg:$0xe];
	s3 =	sadd.s32 $0x1, s3  }
0xa8: {  	p0 =	sne.s32 s3, s20  }
.Ltmp1:
0xa9: {  	_ = 	snop;
	(pc) =	sbr.rel @p0 .LBB2_1-.Ltmp1, $3  }
0xaa: {  	_ =	sdelay $0x1  }
0xab: {  	[sflag:s24] =	ssyncset.done $0x0  }
0xac: {  	s14 =	smov.u32 s6;
	[sflag:s24] =	ssyncadd.s32 $0xFFFFF800  }
0xad: {  	_ =	sfence.sel $0x180000  }
0xae: {  	[bflag:$0x0] =	sbarrier.arrive $0xFFFF  }
0xaf: {  	_ =	strace $0x90000047  }
0xb0: {  	s0 =	stileid.u32;
	[bflag:$0x2] =	sbarrier.arrive $0xFFFF  }
0xb1: {  	p0 =	sne.s32 s0, $0x0;
	s0 =	rddreg [dreg:$0x6]  }
0xb2: {  	s0 =	sadd.s32 @!p0 $0x100000, s0  }
0xb3: {  	[sflag:s0] =	ssyncadd.tile.s32 @!p0 $0x1;
	_ =	shalt  }
.Lfunc_end2:
_tile_overlayer_lowered:
.L_overlay_start_2:
0xb4: {  	(tag) =	ssettag $0x2  }
0xb5: {  	s0 =	rddreg [dreg:$0x0];
	s2 =	stileid.u32  }
0xb6: {  	s1 =	rddreg [dreg:$0x1];
	p0 =	sne.s32 s2, $0x0  }
0xb7: {  	s3 =	rddreg [dreg:$0x2];
	[bflag:$0x3] =	sbarrier.arrive $0xFFFF;
	s2 =	simm.s32 @!p0 $0x1C0A  }
0xb8: {  	[timem:s3], [sflag:s2] =	dma.local @!p0 [hbm:s0], s1  }
0xb9: {  	s0 =	simm.s32 @!p0 $0xA  }
0xba: {  	_ =	swait.ge @!p0 [sflag:s0], s1  }
0xbb: {  	s1 =	ssub.s32 @!p0 $0x0, s1;
	[sflag:s0] =	ssyncset.done @!p0 $0x0  }
0xbc: {  	[sflag:s0] =	ssyncadd.s32 @!p0 s1  }
0xbd: {  	[bflag:$0x3] =	sbarrier.arrive $0xFFFF  }
0xbe: {  	_ =	shalt  }

</sc_bundles>
